<compile_context>
chip_gen: v7x
topology: tpu7x:2x2x1
jax: 0.10.2.dev20260603
libtpu: 0.0.44.dev20260713+nightly
codegen_flags: <defaults>
</compile_context>

<pallas_src>
import functools

import jax
import jax.numpy as jnp
from jax import lax
from jax.experimental import pallas as pl
from jax.experimental.pallas import tpu as pltpu
from jax.experimental.pallas import tpu_sc as plsc

N = 10000
E = 160000
D_IN = 300
D_HID = 128
D_OUT = 64

NP = 10240
B = 128
EP = 163840
ROWS = EP // B
NW = 32
RPW = ROWS // NW
TILES = 16
RPT = ROWS // TILES
NPT = NP // TILES
PAD = N
CH = 160
NBUF = 2
SLACK = 1
CS0 = 64
CS1 = 2 * RPW - CS0
ROWS0 = E // B
ROWSP = ROWS + 64
RBLK = 640

_MESH = dict(core_axis_name="c", subcore_axis_name="s")


_SC_PARAMS = pltpu.CompilerParams(use_tc_tiling_on_sc=True)


@functools.partial(
    pl.kernel,
    out_type=jax.ShapeDtypeStruct((2, NP, B), jnp.float32),
    mesh=plsc.VectorSubcoreMesh(**_MESH),
    compiler_params=_SC_PARAMS,
    scratch_types=[
        pltpu.VMEM((RPW, B), jnp.int32),
        pltpu.VMEM((B, B), jnp.float32),
        pltpu.VMEM((CH, B), jnp.float32),
        pltpu.VMEM_SHARED((NP, B), jnp.float32),
        pltpu.SemaphoreType.DMA,
    ],
)
def _deg_kernel(dst_hbm, deg_hbm, dst_v, ones_v, stage_v, acc_sh, dsem):
    c = lax.axis_index("c")
    s = lax.axis_index("s")
    wid = s * 2 + c
    zero16 = jnp.zeros((16,), jnp.float32)
    one16 = jnp.ones((16,), jnp.float32)

    def fill(i, carry):
        ones_v[i // 8, pl.ds((i % 8) * 16, 16)] = one16
        return carry

    lax.fori_loop(0, B * 8, fill, 0)

    def zfill(i, carry):
        stage_v[i // 8, pl.ds((i % 8) * 16, 16)] = zero16
        return carry

    lax.fori_loop(0, CH * 8, zfill, 0)

    def zinit(k, carry):
        pltpu.sync_copy(stage_v, acc_sh.at[pl.ds(s * NPT + k * CH, CH)])
        return carry

    lax.fori_loop(0, NPT // CH, zinit, 0)
    pltpu.sync_copy(dst_hbm.at[pl.ds(wid * RPW, RPW)], dst_v)
    plsc.subcore_barrier()

    def body(b, carry):
        pltpu.async_copy(ones_v, acc_sh.at[dst_v.at[b]], dsem, add=True)
        return carry

    lax.fori_loop(0, RPW, body, 0)

    def drain(b, carry):
        pltpu.make_async_copy(ones_v, acc_sh.at[dst_v.at[b]], dsem).wait()
        return carry

    lax.fori_loop(0, RPW, drain, 0)
    plsc.subcore_barrier()

    pltpu.sync_copy(acc_sh.at[pl.ds(s * NPT, NPT)],
                    deg_hbm.at[c].at[pl.ds(s * NPT, NPT)])


def _make_agg(d):
    @functools.partial(
        pl.kernel,
        out_type=jax.ShapeDtypeStruct((2, NP, d), jnp.float32),
        mesh=plsc.VectorSubcoreMesh(**_MESH),
        compiler_params=_SC_PARAMS,
        scratch_types=[
            pltpu.VMEM((CS0, B), jnp.int32),
            pltpu.VMEM((CS0, B), jnp.int32),
            pltpu.VMEM((NBUF, B, d), jnp.float32),
            pltpu.VMEM_SHARED((NP, d), jnp.float32),
            pltpu.SemaphoreType.DMA,
            pltpu.SemaphoreType.DMA,
        ],
    )
    def agg(src_hbm, dst_hbm, y_hbm, out_hbm, src_v, dst_v, rows_v,
            acc_sh, gsem, ssem):
        c = lax.axis_index("c")
        s = lax.axis_index("s")
        nb = jnp.where(c == 0, CS0, CS1)
        base = jnp.where(c == 0, s * CS0, TILES * CS0 + s * CS1)

        @pl.when(c == 0)
        def _():
            pltpu.sync_copy(y_hbm.at[pl.ds(s * NPT, NPT)],
                            acc_sh.at[pl.ds(s * NPT, NPT)])

        @pl.when(c == 1)
        def _():
            zero16 = jnp.zeros((16,), jnp.float32)

            def zfill(i, carry):
                rows_v[0, i // (d // 16), pl.ds((i % (d // 16)) * 16, 16)] = (
                    zero16)
                return carry

            lax.fori_loop(0, B * (d // 16), zfill, 0)

            def zinit(k, carry):
                pltpu.sync_copy(rows_v.at[0],
                                acc_sh.at[pl.ds(s * NPT + k * B, B)])
                return carry

            lax.fori_loop(0, NPT // B, zinit, 0)

        pltpu.sync_copy(src_hbm.at[pl.ds(base, CS0)], src_v)
        pltpu.sync_copy(dst_hbm.at[pl.ds(base, CS0)], dst_v)
        plsc.subcore_barrier()

        def prefire(k, carry):
            pltpu.async_copy(y_hbm.at[src_v.at[k]], rows_v.at[k], gsem)
            return carry

        lax.fori_loop(0, NBUF, prefire, 0)

        def body(b, carry):
            buf = b % NBUF
            pltpu.make_async_copy(y_hbm.at[src_v.at[b]], rows_v.at[buf],
                                  gsem).wait()
            pltpu.async_copy(rows_v.at[buf], acc_sh.at[dst_v.at[b]], ssem,
                             add=True)

            @pl.when(b >= SLACK)
            def _():
                bb = b - SLACK
                pltpu.make_async_copy(rows_v.at[bb % NBUF],
                                      acc_sh.at[dst_v.at[bb]], ssem).wait()

                @pl.when(bb + NBUF < nb)
                def _():
                    g = bb + NBUF
                    pltpu.async_copy(y_hbm.at[src_v.at[g]],
                                     rows_v.at[g % NBUF], gsem)

            return carry

        lax.fori_loop(0, nb, body, 0)

        def sdrain(i, carry):
            bb = nb - SLACK + i
            pltpu.make_async_copy(rows_v.at[bb % NBUF],
                                  acc_sh.at[dst_v.at[bb]], ssem).wait()
            return carry

        lax.fori_loop(0, SLACK, sdrain, 0)
        plsc.subcore_barrier()
        pltpu.sync_copy(acc_sh.at[pl.ds(s * NPT, NPT)],
                        out_hbm.at[c].at[pl.ds(s * NPT, NPT)])

    return agg


_agg_hid = _make_agg(D_HID)


def _epad_body(s_ref, d_ref, sp_ref, dp_ref):
    tail = jnp.full((ROWSP - ROWS0, B), PAD, jnp.int32)
    sp_ref[...] = jnp.concatenate([s_ref[...], tail], axis=0)
    dp_ref[...] = jnp.concatenate([d_ref[...], tail], axis=0)


_epad = pl.pallas_call(
    _epad_body,
    out_shape=[jax.ShapeDtypeStruct((ROWSP, B), jnp.int32),
               jax.ShapeDtypeStruct((ROWSP, B), jnp.int32)],
)


def _mmraw_body(x_ref, w_ref, xw_ref):
    xw_ref[...] = jnp.dot(x_ref[...], w_ref[...],
                          preferred_element_type=jnp.float32)


def _scale_body(q0_ref, q1_ref, xw_ref, y_ref, dis_ref):
    deg = (q0_ref[...] + q1_ref[...])[:, :1]
    dis = lax.rsqrt(deg + 1.0)
    y_ref[...] = dis * xw_ref[...]
    dis_ref[...] = dis


def _mm2_body(p0_ref, p1_ref, dis_ref, b1_ref, w2_ref, y2_ref):
    dis = dis_ref[...]
    agg = p0_ref[...] + p1_ref[...]
    h = jnp.maximum(dis * agg + b1_ref[...], 0.0)
    y2_ref[...] = dis * jnp.dot(h, w2_ref[...],
                                preferred_element_type=jnp.float32)


def _fin_body(q0_ref, q1_ref, dis_ref, b2_ref, out_ref):
    agg = (q0_ref[...] + q1_ref[...])[:, :D_OUT]
    out_ref[...] = dis_ref[...] * agg + b2_ref[...]


def _row_spec(d):
    return pl.BlockSpec((RBLK, d), lambda i: (i, 0))


def _full_spec(r, d):
    return pl.BlockSpec((r, d), lambda i: (0, 0))


_GRID = NP // RBLK

_mmraw = pl.pallas_call(
    _mmraw_body,
    grid=(_GRID,),
    in_specs=[_row_spec(D_IN), _full_spec(D_IN, D_HID)],
    out_specs=_row_spec(D_HID),
    out_shape=jax.ShapeDtypeStruct((NP, D_HID), jnp.float32),
)

_scale = pl.pallas_call(
    _scale_body,
    grid=(_GRID,),
    in_specs=[_row_spec(B), _row_spec(B), _row_spec(D_HID)],
    out_specs=[_row_spec(D_HID), _row_spec(1)],
    out_shape=[jax.ShapeDtypeStruct((NP, D_HID), jnp.float32),
               jax.ShapeDtypeStruct((NP, 1), jnp.float32)],
)

_mm2 = pl.pallas_call(
    _mm2_body,
    grid=(_GRID,),
    in_specs=[_row_spec(D_HID), _row_spec(D_HID),
              _row_spec(1), _full_spec(1, D_HID), _full_spec(D_HID, D_HID)],
    out_specs=_row_spec(D_HID),
    out_shape=jax.ShapeDtypeStruct((NP, D_HID), jnp.float32),
)

_fin = pl.pallas_call(
    _fin_body,
    grid=(_GRID,),
    in_specs=[_row_spec(D_HID), _row_spec(D_HID),
              _row_spec(1), _full_spec(1, D_OUT)],
    out_specs=_row_spec(D_OUT),
    out_shape=jax.ShapeDtypeStruct((NP, D_OUT), jnp.float32),
)


@jax.jit
def _run(x, edge_index, W1, b1, W2, b2):
    srcp, dstp = _epad(edge_index[0].reshape(ROWS0, B),
                       edge_index[1].reshape(ROWS0, B))
    xp = jnp.pad(x, ((0, NP - N), (0, 0)))

    deg = _deg_kernel(dstp)
    xw1 = _mmraw(xp, W1)
    y1, dis = _scale(deg[0], deg[1], xw1)
    p = _agg_hid(srcp, dstp, y1)
    W2p = jnp.pad(W2, ((0, 0), (0, D_HID - D_OUT)))
    y2 = _mm2(p[0], p[1], dis, b1.reshape(1, D_HID), W2p)
    q = _agg_hid(srcp, dstp, y2)
    out = _fin(q[0], q[1], dis, b2.reshape(1, D_OUT))
    return out[:N]


def kernel(x, edge_index, W1, b1, W2, b2):
    return _run(x, edge_index, W1, b1, W2, b2)

# --- scband reference (transcript-rebuilt; emitter-appended) ---
"""Pipeline reference for scband-gcnnet-4810363372847 (READ-ONLY COPY).

The authoritative reference and input builder live on the scoring server;
editing this copy changes nothing except your own understanding.
"""

import jax, jax.numpy as jnp
import numpy as np

N = 10000
E = 160000
D_IN = 300
D_HID = 128
D_OUT = 64

def setup_inputs(seed: int = 0) -> dict:
    key = jax.random.key(seed)
    k1, k2, k3, k4 = jax.random.split(key, 4)
    x = jax.random.normal(k1, (N, D_IN), dtype=jnp.float32)
    edge_index = jax.random.randint(k2, (2, E), 0, N, dtype=jnp.int32)
    W1 = jax.random.normal(k3, (D_IN, D_HID), dtype=jnp.float32) * (1.0 / np.sqrt(D_IN))
    b1 = jnp.zeros((D_HID,), dtype=jnp.float32)
    W2 = jax.random.normal(k4, (D_HID, D_OUT), dtype=jnp.float32) * (1.0 / np.sqrt(D_HID))
    b2 = jnp.zeros((D_OUT,), dtype=jnp.float32)
    return {"x": x, "edge_index": edge_index, "W1": W1, "b1": b1, "W2": W2, "b2": b2}

def _gcn_conv(x, edge_index, W, b):
    # Faithful GCNConv: add self-loops, symmetric normalization deg^-1/2 A deg^-1/2, linear, bias
    n = x.shape[0]
    loop = jnp.arange(n, dtype=edge_index.dtype)
    src = jnp.concatenate([edge_index[0], loop])
    dst = jnp.concatenate([edge_index[1], loop])
    xw = x @ W
    ones = jnp.ones(src.shape[0], dtype=x.dtype)
    deg = jnp.zeros(n, dtype=x.dtype).at[dst].add(ones)
    deg_inv_sqrt = jnp.where(deg > 0, jax.lax.rsqrt(jnp.maximum(deg, 1e-12)), 0.0)
    norm = deg_inv_sqrt[src] * deg_inv_sqrt[dst]
    msg = norm[:, None] * xw[src]
    out = jnp.zeros((n, W.shape[1]), dtype=x.dtype).at[dst].add(msg)
    return out + b

def reference(x, edge_index, W1, b1, W2, b2):
    h = jax.nn.relu(_gcn_conv(x, edge_index, W1, b1))
    # F.dropout with training=self.training -> identity in eval mode
    out = _gcn_conv(h, edge_index, W2, b2)
    return out

if __name__ == "__main__":
    import jax
    _d = setup_inputs()
    print(jax.jit(kernel)(*tuple(_d.values())))

</pallas_src>

<mosaic_0001>
#map = affine_map<(d0, d1) -> (0, 0)>
#map1 = affine_map<(d0, d1) -> (0, 0, 0)>
module attributes {stable_mosaic.version = 14 : i64} {
  func.func @agg(%arg0: i32, %arg1: i32, %arg2: memref<1344x128xi32, #tpu.memory_space<hbm>>, %arg3: memref<1344x128xi32, #tpu.memory_space<hbm>>, %arg4: memref<10240x128xf32, #tpu.memory_space<hbm>>, %arg5: memref<2x10240x128xf32, #tpu.memory_space<hbm>>, %arg6: memref<64x128xi32, #tpu.memory_space<vmem>>, %arg7: memref<64x128xi32, #tpu.memory_space<vmem>>, %arg8: memref<2x128x128xf32, #tpu.memory_space<vmem>>, %arg9: memref<10240x128xf32, #tpu.memory_space<vmem_shared>>, %arg10: memref<!tpu.dma_semaphore, #tpu.memory_space<semaphore_mem>>, %arg11: memref<!tpu.dma_semaphore, #tpu.memory_space<semaphore_mem>>) attributes {dimension_semantics = [#tpu.dimension_semantics<core_parallel>, #tpu.dimension_semantics<subcore_parallel>], iteration_bounds = array<i64: 2, 16>, scalar_prefetch = 0 : i64, scratch_operands = 6 : i64, tpu.core_type = #tpu.core_type<sc_vector_subcore>, window_params = [{transform_indices = #map}, {transform_indices = #map}, {transform_indices = #map}, {transform_indices = #map1}]} {
    %eq3A = arith.constant 0 : i32
    %eq3A_0 = arith.cmpi eq, %arg0, %eq3A : i32
    %jit3A = arith.constant 64 : i32
    %jit3A_1 = arith.constant 16 : i32
    %select_n3A = arith.select %eq3A_0, %jit3A, %jit3A_1 : i32
    %eq3A_2 = arith.constant 0 : i32
    %eq3A_3 = arith.cmpi eq, %arg0, %eq3A_2 : i32
    %mul3A = arith.constant 64 : i32
    %mul3A_4 = arith.muli %arg1, %mul3A : i32
    %mul3A_5 = arith.constant 16 : i32
    %mul3A_6 = arith.muli %arg1, %mul3A_5 : i32
    %add3A = arith.constant 1024 : i32
    %add3A_7 = arith.addi %add3A, %mul3A_6 : i32
    %select_n3A_8 = arith.select %eq3A_3, %mul3A_4, %add3A_7 : i32
    %eq3A_9 = arith.constant 0 : i32
    %eq3A_10 = arith.cmpi eq, %arg0, %eq3A_9 : i32
    %convert_element_type3A = arith.extui %eq3A_10 : i1 to i32
    %cond3A = arith.constant 0 : i32
    %cond3A_11 = arith.cmpi ne, %convert_element_type3A, %cond3A : i32
    scf.if %cond3A_11 {
      %mul3A_62 = arith.constant 640 : i32
      %mul3A_63 = arith.muli %arg1, %mul3A_62 : i32
      %mul3A_64 = arith.constant 640 : i32
      %mul3A_65 = arith.muli %arg1, %mul3A_64 : i32
      "tpu.region"() ({
        %run_scoped3A = tpu.sem_alloc : memref<!tpu.dma_semaphore, #tpu.memory_space<semaphore_mem>>
        %dma_start3A = arith.constant 0 : i32
        %dma_start3A_66 = tpu.memref_slice %arg9[%mul3A_65, %dma_start3A] : memref<10240x128xf32, #tpu.memory_space<vmem_shared>> -> memref<640x128xf32, #tpu.memory_space<vmem_shared>>
        %dma_start3A_67 = arith.constant 0 : i32
        %dma_start3A_68 = tpu.memref_slice %arg4[%mul3A_63, %dma_start3A_67] : memref<10240x128xf32, #tpu.memory_space<hbm>> -> memref<640x128xf32, #tpu.memory_space<hbm>>
        tpu.enqueue_dma source(%dma_start3A_68 : memref<640x128xf32, #tpu.memory_space<hbm>>) target(%dma_start3A_66 : memref<640x128xf32, #tpu.memory_space<vmem_shared>>) target_semaphore(%run_scoped3A : memref<!tpu.dma_semaphore, #tpu.memory_space<semaphore_mem>>)
        %dma_wait3A_69 = arith.constant 0 : i32
        %dma_wait3A_70 = tpu.memref_slice %arg9[%mul3A_65, %dma_wait3A_69] : memref<10240x128xf32, #tpu.memory_space<vmem_shared>> -> memref<640x128xf32, #tpu.memory_space<vmem_shared>>
        %dma_wait3A_71 = arith.constant 0 : i32
        %dma_wait3A_72 = tpu.memref_slice %arg4[%mul3A_63, %dma_wait3A_71] : memref<10240x128xf32, #tpu.memory_space<hbm>> -> memref<640x128xf32, #tpu.memory_space<hbm>>
        tpu.wait_dma2 semaphore(%run_scoped3A : memref<!tpu.dma_semaphore, #tpu.memory_space<semaphore_mem>>) src(%dma_wait3A_72 : memref<640x128xf32, #tpu.memory_space<hbm>>) dst(%dma_wait3A_70 : memref<640x128xf32, #tpu.memory_space<vmem_shared>>)
        tpu.yield
      }) : () -> ()
    } else {
    }
    %eq3A_12 = arith.constant 1 : i32
    %eq3A_13 = arith.cmpi eq, %arg0, %eq3A_12 : i32
    %convert_element_type3A_14 = arith.extui %eq3A_13 : i1 to i32
    %cond3A_15 = arith.constant 0 : i32
    %cond3A_16 = arith.cmpi ne, %convert_element_type3A_14, %cond3A_15 : i32
    scf.if %cond3A_16 {
      %broadcast_in_dim3A = arith.constant 0.000000e+00 : f32
      %broadcast_in_dim3A_62 = vector.broadcast %broadcast_in_dim3A : f32 to vector<16xf32>
      %scan3A_63 = arith.constant 0 : i32
      %scan3A_64 = arith.constant 0 : i32
      %scan3A_65 = arith.constant 1024 : i32
      %scan3A_66 = arith.addi %scan3A_64, %scan3A_65 : i32
      %scan3A_67 = arith.constant 1 : i32
      scf.for %scan3A_75 = %scan3A_64 to %scan3A_66 step %scan3A_67  : i32 {
        %jit3A_76 = arith.constant 8 : i32
        %div3A = arith.divsi %scan3A_75, %jit3A_76 : i32
        %sign3A = arith.constant 0 : i32
        %sign3A_77 = arith.cmpi sgt, %scan3A_75, %sign3A : i32
        %sign3A_78 = arith.extui %sign3A_77 : i1 to i32
        %sign3A_79 = arith.constant 0 : i32
        %sign3A_80 = arith.cmpi slt, %scan3A_75, %sign3A_79 : i32
        %sign3A_81 = arith.extui %sign3A_80 : i1 to i32
        %sign3A_82 = arith.subi %sign3A_78, %sign3A_81 : i32
        %sign3A_83 = arith.constant 0 : i32
        %sign3A_84 = arith.cmpi sgt, %jit3A_76, %sign3A_83 : i32
        %sign3A_85 = arith.extui %sign3A_84 : i1 to i32
        %sign3A_86 = arith.constant 0 : i32
        %sign3A_87 = arith.cmpi slt, %jit3A_76, %sign3A_86 : i32
        %sign3A_88 = arith.extui %sign3A_87 : i1 to i32
        %sign3A_89 = arith.subi %sign3A_85, %sign3A_88 : i32
        %ne3A_90 = arith.cmpi ne, %sign3A_82, %sign3A_89 : i32
        %rem3A_91 = arith.remsi %scan3A_75, %jit3A_76 : i32
        %ne3A_92 = arith.constant 0 : i32
        %ne3A_93 = arith.cmpi ne, %rem3A_91, %ne3A_92 : i32
        %and3A_94 = arith.andi %ne3A_90, %ne3A_93 : i1
        %sub3A_95 = arith.constant 1 : i32
        %sub3A_96 = arith.subi %div3A, %sub3A_95 : i32
        %select_n3A_97 = arith.select %and3A_94, %sub3A_96, %div3A : i32
        %jit3A_98 = arith.constant 8 : i32
        %eq3A_99 = arith.constant 0 : i32
        %eq3A_100 = arith.cmpi eq, %jit3A_98, %eq3A_99 : i32
        %jit3A_101 = arith.constant 1 : i32
        %select_n3A_102 = arith.select %eq3A_100, %jit3A_101, %jit3A_98 : i32
        %rem3A_103 = arith.remsi %scan3A_75, %select_n3A_102 : i32
        %ne3A_104 = arith.constant 0 : i32
        %ne3A_105 = arith.cmpi ne, %rem3A_103, %ne3A_104 : i32
        %lt3A_106 = arith.constant 0 : i32
        %lt3A_107 = arith.cmpi slt, %rem3A_103, %lt3A_106 : i32
        %lt3A_108 = arith.constant 0 : i32
        %lt3A_109 = arith.cmpi slt, %select_n3A_102, %lt3A_108 : i32
        %ne3A_110 = arith.xori %lt3A_107, %lt3A_109 : i1
        %and3A_111 = arith.andi %ne3A_110, %ne3A_105 : i1
        %add3A_112 = arith.addi %rem3A_103, %select_n3A_102 : i32
        %select_n3A_113 = arith.select %and3A_111, %add3A_112, %rem3A_103 : i32
        %mul3A_114 = arith.constant 16 : i32
        %mul3A_115 = arith.muli %select_n3A_113, %mul3A_114 : i32
        %swap3A = arith.constant 0 : i32
        %swap3A_116 = arith.index_cast %swap3A : i32 to index
        %swap3A_117 = arith.index_cast %select_n3A_97 : i32 to index
        %swap3A_118 = arith.index_cast %mul3A_115 : i32 to index
        %swap3A_119 = tpu.vector_load %arg8[%swap3A_116, %swap3A_117, %swap3A_118] {strides = array<i32>} : memref<2x128x128xf32, #tpu.memory_space<vmem>>, vector<1x1x16xf32>,
        %swap3A_120 = vector.shape_cast %swap3A_119 : vector<1x1x16xf32> to vector<16xf32>
        %swap3A_121 = vector.shape_cast %broadcast_in_dim3A_62 : vector<16xf32> to vector<1x1x16xf32>
        tpu.vector_store %arg8[%swap3A_116, %swap3A_117, %swap3A_118], %swap3A_121 {strides = array<i32>} : memref<2x128x128xf32, #tpu.memory_space<vmem>>, vector<1x1x16xf32>,
      }
      %scan3A_68 = arith.constant 1024 : i32
      %scan3A_69 = arith.constant 0 : i32
      %scan3A_70 = arith.constant 0 : i32
      %scan3A_71 = arith.constant 5 : i32
      %scan3A_72 = arith.addi %scan3A_70, %scan3A_71 : i32
      %scan3A_73 = arith.constant 1 : i32
      scf.for %scan3A_75 = %scan3A_70 to %scan3A_72 step %scan3A_73  : i32 {
        %mul3A_76 = arith.constant 640 : i32
        %mul3A_77 = arith.muli %arg1, %mul3A_76 : i32
        %mul3A_78 = arith.constant 128 : i32
        %mul3A_79 = arith.muli %scan3A_75, %mul3A_78 : i32
        %add3A_80 = arith.addi %mul3A_77, %mul3A_79 : i32
        %run_scoped3A = arith.constant 0 : i32
        "tpu.region"() ({
          %run_scoped3A_81 = tpu.sem_alloc : memref<!tpu.dma_semaphore, #tpu.memory_space<semaphore_mem>>
          %dma_start3A = arith.constant 0 : i32
          %dma_start3A_82 = arith.constant 0 : i32
          %dma_start3A_83 = tpu.memref_slice %arg8[%run_scoped3A, %dma_start3A, %dma_start3A_82] : memref<2x128x128xf32, #tpu.memory_space<vmem>> -> memref<1x128x128xf32, #tpu.memory_space<vmem>>
          %dma_start3A_84 = tpu.memref_squeeze %dma_start3A_83 : memref<1x128x128xf32, #tpu.memory_space<vmem>> -> memref<128x128xf32, #tpu.memory_space<vmem>>
          %dma_start3A_85 = arith.constant 0 : i32
          %dma_start3A_86 = tpu.memref_slice %arg9[%add3A_80, %dma_start3A_85] : memref<10240x128xf32, #tpu.memory_space<vmem_shared>> -> memref<128x128xf32, #tpu.memory_space<vmem_shared>>
          %dma_start3A_87 = arith.constant 0 : i32
          %dma_start3A_88 = tpu.memref_slice %arg9[%add3A_80, %dma_start3A_87] : memref<10240x128xf32, #tpu.memory_space<vmem_shared>> -> memref<128x128xf32, #tpu.memory_space<vmem_shared>>
          %dma_start3A_89 = arith.constant 0 : i32
          %dma_start3A_90 = arith.constant 0 : i32
          %dma_start3A_91 = tpu.memref_slice %arg8[%run_scoped3A, %dma_start3A_89, %dma_start3A_90] : memref<2x128x128xf32, #tpu.memory_space<vmem>> -> memref<1x128x128xf32, #tpu.memory_space<vmem>>
          %dma_start3A_92 = tpu.memref_squeeze %dma_start3A_91 : memref<1x128x128xf32, #tpu.memory_space<vmem>> -> memref<128x128xf32, #tpu.memory_space<vmem>>
          tpu.enqueue_dma source(%dma_start3A_92 : memref<128x128xf32, #tpu.memory_space<vmem>>) target(%dma_start3A_88 : memref<128x128xf32, #tpu.memory_space<vmem_shared>>) target_semaphore(%run_scoped3A_81 : memref<!tpu.dma_semaphore, #tpu.memory_space<semaphore_mem>>)
          %dma_wait3A_93 = arith.constant 0 : i32
          %dma_wait3A_94 = arith.constant 0 : i32
          %dma_wait3A_95 = tpu.memref_slice %arg8[%run_scoped3A, %dma_wait3A_93, %dma_wait3A_94] : memref<2x128x128xf32, #tpu.memory_space<vmem>> -> memref<1x128x128xf32, #tpu.memory_space<vmem>>
          %dma_wait3A_96 = tpu.memref_squeeze %dma_wait3A_95 : memref<1x128x128xf32, #tpu.memory_space<vmem>> -> memref<128x128xf32, #tpu.memory_space<vmem>>
          %dma_wait3A_97 = arith.constant 0 : i32
          %dma_wait3A_98 = tpu.memref_slice %arg9[%add3A_80, %dma_wait3A_97] : memref<10240x128xf32, #tpu.memory_space<vmem_shared>> -> memref<128x128xf32, #tpu.memory_space<vmem_shared>>
          %dma_wait3A_99 = arith.constant 0 : i32
          %dma_wait3A_100 = tpu.memref_slice %arg9[%add3A_80, %dma_wait3A_99] : memref<10240x128xf32, #tpu.memory_space<vmem_shared>> -> memref<128x128xf32, #tpu.memory_space<vmem_shared>>
          %dma_wait3A_101 = arith.constant 0 : i32
          %dma_wait3A_102 = arith.constant 0 : i32
          %dma_wait3A_103 = tpu.memref_slice %arg8[%run_scoped3A, %dma_wait3A_101, %dma_wait3A_102] : memref<2x128x128xf32, #tpu.memory_space<vmem>> -> memref<1x128x128xf32, #tpu.memory_space<vmem>>
          %dma_wait3A_104 = tpu.memref_squeeze %dma_wait3A_103 : memref<1x128x128xf32, #tpu.memory_space<vmem>> -> memref<128x128xf32, #tpu.memory_space<vmem>>
          tpu.wait_dma2 semaphore(%run_scoped3A_81 : memref<!tpu.dma_semaphore, #tpu.memory_space<semaphore_mem>>) src(%dma_wait3A_104 : memref<128x128xf32, #tpu.memory_space<vmem>>) dst(%dma_wait3A_100 : memref<128x128xf32, #tpu.memory_space<vmem_shared>>)
          tpu.yield
        }) : () -> ()
      }
      %scan3A_74 = arith.constant 5 : i32
    } else {
    }
    "tpu.region"() ({
      %run_scoped3A = tpu.sem_alloc : memref<!tpu.dma_semaphore, #tpu.memory_space<semaphore_mem>>
      %dma_start3A = arith.constant 0 : i32
      %dma_start3A_62 = tpu.memref_slice %arg2[%select_n3A_8, %dma_start3A] : memref<1344x128xi32, #tpu.memory_space<hbm>> -> memref<64x128xi32, #tpu.memory_space<hbm>>
      %dma_start3A_63 = arith.constant 0 : i32
      %dma_start3A_64 = tpu.memref_slice %arg2[%select_n3A_8, %dma_start3A_63] : memref<1344x128xi32, #tpu.memory_space<hbm>> -> memref<64x128xi32, #tpu.memory_space<hbm>>
      tpu.enqueue_dma source(%dma_start3A_64 : memref<64x128xi32, #tpu.memory_space<hbm>>) target(%arg6 : memref<64x128xi32, #tpu.memory_space<vmem>>) target_semaphore(%run_scoped3A : memref<!tpu.dma_semaphore, #tpu.memory_space<semaphore_mem>>)
      %dma_wait3A_65 = arith.constant 0 : i32
      %dma_wait3A_66 = tpu.memref_slice %arg2[%select_n3A_8, %dma_wait3A_65] : memref<1344x128xi32, #tpu.memory_space<hbm>> -> memref<64x128xi32, #tpu.memory_space<hbm>>
      %dma_wait3A_67 = arith.constant 0 : i32
      %dma_wait3A_68 = tpu.memref_slice %arg2[%select_n3A_8, %dma_wait3A_67] : memref<1344x128xi32, #tpu.memory_space<hbm>> -> memref<64x128xi32, #tpu.memory_space<hbm>>
      tpu.wait_dma2 semaphore(%run_scoped3A : memref<!tpu.dma_semaphore, #tpu.memory_space<semaphore_mem>>) src(%dma_wait3A_68 : memref<64x128xi32, #tpu.memory_space<hbm>>) dst(%arg6 : memref<64x128xi32, #tpu.memory_space<vmem>>)
      tpu.yield
    }) : () -> ()
    "tpu.region"() ({
      %run_scoped3A = tpu.sem_alloc : memref<!tpu.dma_semaphore, #tpu.memory_space<semaphore_mem>>
      %dma_start3A = arith.constant 0 : i32
      %dma_start3A_62 = tpu.memref_slice %arg3[%select_n3A_8, %dma_start3A] : memref<1344x128xi32, #tpu.memory_space<hbm>> -> memref<64x128xi32, #tpu.memory_space<hbm>>
      %dma_start3A_63 = arith.constant 0 : i32
      %dma_start3A_64 = tpu.memref_slice %arg3[%select_n3A_8, %dma_start3A_63] : memref<1344x128xi32, #tpu.memory_space<hbm>> -> memref<64x128xi32, #tpu.memory_space<hbm>>
      tpu.enqueue_dma source(%dma_start3A_64 : memref<64x128xi32, #tpu.memory_space<hbm>>) target(%arg7 : memref<64x128xi32, #tpu.memory_space<vmem>>) target_semaphore(%run_scoped3A : memref<!tpu.dma_semaphore, #tpu.memory_space<semaphore_mem>>)
      %dma_wait3A_65 = arith.constant 0 : i32
      %dma_wait3A_66 = tpu.memref_slice %arg3[%select_n3A_8, %dma_wait3A_65] : memref<1344x128xi32, #tpu.memory_space<hbm>> -> memref<64x128xi32, #tpu.memory_space<hbm>>
      %dma_wait3A_67 = arith.constant 0 : i32
      %dma_wait3A_68 = tpu.memref_slice %arg3[%select_n3A_8, %dma_wait3A_67] : memref<1344x128xi32, #tpu.memory_space<hbm>> -> memref<64x128xi32, #tpu.memory_space<hbm>>
      tpu.wait_dma2 semaphore(%run_scoped3A : memref<!tpu.dma_semaphore, #tpu.memory_space<semaphore_mem>>) src(%dma_wait3A_68 : memref<64x128xi32, #tpu.memory_space<hbm>>) dst(%arg7 : memref<64x128xi32, #tpu.memory_space<vmem>>)
      tpu.yield
    }) : () -> ()
    %barrier3A = arith.constant 0 : index
    tpu.barrier barrier_id(%barrier3A)
    %scan3A = arith.constant 0 : i32
    %scan3A_17 = arith.constant 0 : i32
    %scan3A_18 = arith.constant 2 : i32
    %scan3A_19 = arith.addi %scan3A_17, %scan3A_18 : i32
    %scan3A_20 = arith.constant 1 : i32
    scf.for %scan3A_62 = %scan3A_17 to %scan3A_19 step %scan3A_20  : i32 {
      %dma_start3A = arith.constant 0 : i32
      %dma_start3A_63 = arith.constant 0 : i32
      %dma_start3A_64 = tpu.memref_slice %arg8[%scan3A_62, %dma_start3A, %dma_start3A_63] : memref<2x128x128xf32, #tpu.memory_space<vmem>> -> memref<1x128x128xf32, #tpu.memory_space<vmem>>
      %dma_start3A_65 = tpu.memref_squeeze %dma_start3A_64 : memref<1x128x128xf32, #tpu.memory_space<vmem>> -> memref<128x128xf32, #tpu.memory_space<vmem>>
      %dma_start3A_66 = arith.constant 0 : i32
      %dma_start3A_67 = tpu.memref_slice %arg6[%scan3A_62, %dma_start3A_66] : memref<64x128xi32, #tpu.memory_space<vmem>> -> memref<1x128xi32, #tpu.memory_space<vmem>>
      %dma_start3A_68 = tpu.memref_squeeze %dma_start3A_67 : memref<1x128xi32, #tpu.memory_space<vmem>> -> memref<128xi32, #tpu.memory_space<vmem>>
      %dma_start3A_69 = arith.constant 0 : i32
      %dma_start3A_70 = arith.constant 0 : i32
      %dma_start3A_71 = tpu.memref_slice %arg4[%dma_start3A_69, %dma_start3A_70] : memref<10240x128xf32, #tpu.memory_space<hbm>> -> memref<10240x128xf32, #tpu.memory_space<hbm>>
      tpu.enqueue_indirect_dma source(%dma_start3A_71 : memref<10240x128xf32, #tpu.memory_space<hbm>>) target(%dma_start3A_65 : memref<128x128xf32, #tpu.memory_space<vmem>>) offsets(%dma_start3A_68 : memref<128xi32, #tpu.memory_space<vmem>>) semaphore(%arg10 : memref<!tpu.dma_semaphore, #tpu.memory_space<semaphore_mem>>)
    }
    %scan3A_21 = arith.constant 2 : i32
    %while3A = arith.constant 0 : i32
    %while3A_22 = arith.constant 0 : i32
    %while3A_23 = arith.subi %select_n3A, %while3A_22 : i32
    %while3A_24 = arith.addi %while3A_22, %while3A_23 : i32
    %while3A_25 = arith.constant 1 : i32
    %while3A_26 = arith.divsi %while3A_23, %while3A_25 : i32
    %while3A_27 = arith.muli %while3A_26, %while3A_25 : i32
    %while3A_28 = arith.addi %while3A_22, %while3A_27 : i32
    %while3A_29 = arith.constant 1 : i32
    scf.for %while3A_62 = %while3A_22 to %while3A_28 step %while3A_29  : i32 {
      %jit3A_63 = arith.constant 2 : i32
      %eq3A_64 = arith.constant 0 : i32
      %eq3A_65 = arith.cmpi eq, %jit3A_63, %eq3A_64 : i32
      %jit3A_66 = arith.constant 1 : i32
      %select_n3A_67 = arith.select %eq3A_65, %jit3A_66, %jit3A_63 : i32
      %rem3A_68 = arith.remsi %while3A_62, %select_n3A_67 : i32
      %ne3A_69 = arith.constant 0 : i32
      %ne3A_70 = arith.cmpi ne, %rem3A_68, %ne3A_69 : i32
      %lt3A_71 = arith.constant 0 : i32
      %lt3A_72 = arith.cmpi slt, %rem3A_68, %lt3A_71 : i32
      %lt3A_73 = arith.constant 0 : i32
      %lt3A_74 = arith.cmpi slt, %select_n3A_67, %lt3A_73 : i32
      %ne3A_75 = arith.xori %lt3A_72, %lt3A_74 : i1
      %and3A_76 = arith.andi %ne3A_75, %ne3A_70 : i1
      %add3A_77 = arith.addi %rem3A_68, %select_n3A_67 : i32
      %select_n3A_78 = arith.select %and3A_76, %add3A_77, %rem3A_68 : i32
      %dma_wait3A_79 = arith.constant 0 : i32
      %dma_wait3A_80 = arith.constant 0 : i32
      %dma_wait3A_81 = tpu.memref_slice %arg8[%select_n3A_78, %dma_wait3A_79, %dma_wait3A_80] : memref<2x128x128xf32, #tpu.memory_space<vmem>> -> memref<1x128x128xf32, #tpu.memory_space<vmem>>
      %dma_wait3A_82 = tpu.memref_squeeze %dma_wait3A_81 : memref<1x128x128xf32, #tpu.memory_space<vmem>> -> memref<128x128xf32, #tpu.memory_space<vmem>>
      %dma_wait3A_83 = arith.constant 0 : i32
      %dma_wait3A_84 = tpu.memref_slice %arg6[%while3A_62, %dma_wait3A_83] : memref<64x128xi32, #tpu.memory_space<vmem>> -> memref<1x128xi32, #tpu.memory_space<vmem>>
      %dma_wait3A_85 = tpu.memref_squeeze %dma_wait3A_84 : memref<1x128xi32, #tpu.memory_space<vmem>> -> memref<128xi32, #tpu.memory_space<vmem>>
      %dma_wait3A_86 = arith.constant 0 : i32
      %dma_wait3A_87 = arith.constant 0 : i32
      %dma_wait3A_88 = tpu.memref_slice %arg4[%dma_wait3A_86, %dma_wait3A_87] : memref<10240x128xf32, #tpu.memory_space<hbm>> -> memref<10240x128xf32, #tpu.memory_space<hbm>>
      tpu.wait_indirect_dma semaphore(%arg10 : memref<!tpu.dma_semaphore, #tpu.memory_space<semaphore_mem>>) src(%dma_wait3A_88 : memref<10240x128xf32, #tpu.memory_space<hbm>>) dst(%dma_wait3A_82 : memref<128x128xf32, #tpu.memory_space<vmem>>)
      %dma_start3A = arith.constant 0 : i32
      %dma_start3A_89 = arith.constant 0 : i32
      %dma_start3A_90 = tpu.memref_slice %arg8[%select_n3A_78, %dma_start3A, %dma_start3A_89] : memref<2x128x128xf32, #tpu.memory_space<vmem>> -> memref<1x128x128xf32, #tpu.memory_space<vmem>>
      %dma_start3A_91 = tpu.memref_squeeze %dma_start3A_90 : memref<1x128x128xf32, #tpu.memory_space<vmem>> -> memref<128x128xf32, #tpu.memory_space<vmem>>
      %dma_start3A_92 = arith.constant 0 : i32
      %dma_start3A_93 = tpu.memref_slice %arg7[%while3A_62, %dma_start3A_92] : memref<64x128xi32, #tpu.memory_space<vmem>> -> memref<1x128xi32, #tpu.memory_space<vmem>>
      %dma_start3A_94 = tpu.memref_squeeze %dma_start3A_93 : memref<1x128xi32, #tpu.memory_space<vmem>> -> memref<128xi32, #tpu.memory_space<vmem>>
      %dma_start3A_95 = arith.constant 0 : i32
      %dma_start3A_96 = arith.constant 0 : i32
      %dma_start3A_97 = tpu.memref_slice %arg9[%dma_start3A_95, %dma_start3A_96] : memref<10240x128xf32, #tpu.memory_space<vmem_shared>> -> memref<10240x128xf32, #tpu.memory_space<vmem_shared>>
      tpu.enqueue_indirect_dma source(%dma_start3A_91 : memref<128x128xf32, #tpu.memory_space<vmem>>) target(%dma_start3A_97 : memref<10240x128xf32, #tpu.memory_space<vmem_shared>>) offsets(%dma_start3A_94 : memref<128xi32, #tpu.memory_space<vmem>>) semaphore(%arg11 : memref<!tpu.dma_semaphore, #tpu.memory_space<semaphore_mem>>) {add = true}
      %ge3A = arith.constant 1 : i32
      %ge3A_98 = arith.cmpi sge, %while3A_62, %ge3A : i32
      %convert_element_type3A_99 = arith.extui %ge3A_98 : i1 to i32
      %cond3A_100 = arith.constant 0 : i32
      %cond3A_101 = arith.cmpi ne, %convert_element_type3A_99, %cond3A_100 : i32
      scf.if %cond3A_101 {
        %sub3A_102 = arith.constant 1 : i32
        %sub3A_103 = arith.subi %while3A_62, %sub3A_102 : i32
        %jit3A_104 = arith.constant 2 : i32
        %eq3A_105 = arith.constant 0 : i32
        %eq3A_106 = arith.cmpi eq, %jit3A_104, %eq3A_105 : i32
        %jit3A_107 = arith.constant 1 : i32
        %select_n3A_108 = arith.select %eq3A_106, %jit3A_107, %jit3A_104 : i32
        %rem3A_109 = arith.remsi %sub3A_103, %select_n3A_108 : i32
        %ne3A_110 = arith.constant 0 : i32
        %ne3A_111 = arith.cmpi ne, %rem3A_109, %ne3A_110 : i32
        %lt3A_112 = arith.constant 0 : i32
        %lt3A_113 = arith.cmpi slt, %rem3A_109, %lt3A_112 : i32
        %lt3A_114 = arith.constant 0 : i32
        %lt3A_115 = arith.cmpi slt, %select_n3A_108, %lt3A_114 : i32
        %ne3A_116 = arith.xori %lt3A_113, %lt3A_115 : i1
        %and3A_117 = arith.andi %ne3A_116, %ne3A_111 : i1
        %add3A_118 = arith.addi %rem3A_109, %select_n3A_108 : i32
        %select_n3A_119 = arith.select %and3A_117, %add3A_118, %rem3A_109 : i32
        %dma_wait3A_120 = arith.constant 0 : i32
        %dma_wait3A_121 = arith.constant 0 : i32
        %dma_wait3A_122 = tpu.memref_slice %arg8[%select_n3A_119, %dma_wait3A_120, %dma_wait3A_121] : memref<2x128x128xf32, #tpu.memory_space<vmem>> -> memref<1x128x128xf32, #tpu.memory_space<vmem>>
        %dma_wait3A_123 = tpu.memref_squeeze %dma_wait3A_122 : memref<1x128x128xf32, #tpu.memory_space<vmem>> -> memref<128x128xf32, #tpu.memory_space<vmem>>
        %dma_wait3A_124 = arith.constant 0 : i32
        %dma_wait3A_125 = tpu.memref_slice %arg7[%sub3A_103, %dma_wait3A_124] : memref<64x128xi32, #tpu.memory_space<vmem>> -> memref<1x128xi32, #tpu.memory_space<vmem>>
        %dma_wait3A_126 = tpu.memref_squeeze %dma_wait3A_125 : memref<1x128xi32, #tpu.memory_space<vmem>> -> memref<128xi32, #tpu.memory_space<vmem>>
        %dma_wait3A_127 = arith.constant 0 : i32
        %dma_wait3A_128 = arith.constant 0 : i32
        %dma_wait3A_129 = tpu.memref_slice %arg9[%dma_wait3A_127, %dma_wait3A_128] : memref<10240x128xf32, #tpu.memory_space<vmem_shared>> -> memref<10240x128xf32, #tpu.memory_space<vmem_shared>>
        tpu.wait_indirect_dma semaphore(%arg11 : memref<!tpu.dma_semaphore, #tpu.memory_space<semaphore_mem>>) src(%dma_wait3A_123 : memref<128x128xf32, #tpu.memory_space<vmem>>) dst(%dma_wait3A_129 : memref<10240x128xf32, #tpu.memory_space<vmem_shared>>)
        %add3A_130 = arith.constant 2 : i32
        %add3A_131 = arith.addi %sub3A_103, %add3A_130 : i32
        %lt3A_132 = arith.cmpi slt, %add3A_131, %select_n3A : i32
        %convert_element_type3A_133 = arith.extui %lt3A_132 : i1 to i32
        %cond3A_134 = arith.constant 0 : i32
        %cond3A_135 = arith.cmpi ne, %convert_element_type3A_133, %cond3A_134 : i32
        scf.if %cond3A_135 {
          %add3A_136 = arith.constant 2 : i32
          %add3A_137 = arith.addi %sub3A_103, %add3A_136 : i32
          %jit3A_138 = arith.constant 2 : i32
          %eq3A_139 = arith.constant 0 : i32
          %eq3A_140 = arith.cmpi eq, %jit3A_138, %eq3A_139 : i32
          %jit3A_141 = arith.constant 1 : i32
          %select_n3A_142 = arith.select %eq3A_140, %jit3A_141, %jit3A_138 : i32
          %rem3A_143 = arith.remsi %add3A_137, %select_n3A_142 : i32
          %ne3A_144 = arith.constant 0 : i32
          %ne3A_145 = arith.cmpi ne, %rem3A_143, %ne3A_144 : i32
          %lt3A_146 = arith.constant 0 : i32
          %lt3A_147 = arith.cmpi slt, %rem3A_143, %lt3A_146 : i32
          %lt3A_148 = arith.constant 0 : i32
          %lt3A_149 = arith.cmpi slt, %select_n3A_142, %lt3A_148 : i32
          %ne3A_150 = arith.xori %lt3A_147, %lt3A_149 : i1
          %and3A_151 = arith.andi %ne3A_150, %ne3A_145 : i1
          %add3A_152 = arith.addi %rem3A_143, %select_n3A_142 : i32
          %select_n3A_153 = arith.select %and3A_151, %add3A_152, %rem3A_143 : i32
          %dma_start3A_154 = arith.constant 0 : i32
          %dma_start3A_155 = arith.constant 0 : i32
          %dma_start3A_156 = tpu.memref_slice %arg8[%select_n3A_153, %dma_start3A_154, %dma_start3A_155] : memref<2x128x128xf32, #tpu.memory_space<vmem>> -> memref<1x128x128xf32, #tpu.memory_space<vmem>>
          %dma_start3A_157 = tpu.memref_squeeze %dma_start3A_156 : memref<1x128x128xf32, #tpu.memory_space<vmem>> -> memref<128x128xf32, #tpu.memory_space<vmem>>
          %dma_start3A_158 = arith.constant 0 : i32
          %dma_start3A_159 = tpu.memref_slice %arg6[%add3A_137, %dma_start3A_158] : memref<64x128xi32, #tpu.memory_space<vmem>> -> memref<1x128xi32, #tpu.memory_space<vmem>>
          %dma_start3A_160 = tpu.memref_squeeze %dma_start3A_159 : memref<1x128xi32, #tpu.memory_space<vmem>> -> memref<128xi32, #tpu.memory_space<vmem>>
          %dma_start3A_161 = arith.constant 0 : i32
          %dma_start3A_162 = arith.constant 0 : i32
          %dma_start3A_163 = tpu.memref_slice %arg4[%dma_start3A_161, %dma_start3A_162] : memref<10240x128xf32, #tpu.memory_space<hbm>> -> memref<10240x128xf32, #tpu.memory_space<hbm>>
          tpu.enqueue_indirect_dma source(%dma_start3A_163 : memref<10240x128xf32, #tpu.memory_space<hbm>>) target(%dma_start3A_157 : memref<128x128xf32, #tpu.memory_space<vmem>>) offsets(%dma_start3A_160 : memref<128xi32, #tpu.memory_space<vmem>>) semaphore(%arg10 : memref<!tpu.dma_semaphore, #tpu.memory_space<semaphore_mem>>)
        } else {
        }
      } else {
      }
    }
    %while3A_30 = arith.constant 1 : i32
    scf.for %while3A_62 = %while3A_28 to %while3A_24 step %while3A_30  : i32 {
      %jit3A_63 = arith.constant 2 : i32
      %eq3A_64 = arith.constant 0 : i32
      %eq3A_65 = arith.cmpi eq, %jit3A_63, %eq3A_64 : i32
      %jit3A_66 = arith.constant 1 : i32
      %select_n3A_67 = arith.select %eq3A_65, %jit3A_66, %jit3A_63 : i32
      %rem3A_68 = arith.remsi %while3A_62, %select_n3A_67 : i32
      %ne3A_69 = arith.constant 0 : i32
      %ne3A_70 = arith.cmpi ne, %rem3A_68, %ne3A_69 : i32
      %lt3A_71 = arith.constant 0 : i32
      %lt3A_72 = arith.cmpi slt, %rem3A_68, %lt3A_71 : i32
      %lt3A_73 = arith.constant 0 : i32
      %lt3A_74 = arith.cmpi slt, %select_n3A_67, %lt3A_73 : i32
      %ne3A_75 = arith.xori %lt3A_72, %lt3A_74 : i1
      %and3A_76 = arith.andi %ne3A_75, %ne3A_70 : i1
      %add3A_77 = arith.addi %rem3A_68, %select_n3A_67 : i32
      %select_n3A_78 = arith.select %and3A_76, %add3A_77, %rem3A_68 : i32
      %dma_wait3A_79 = arith.constant 0 : i32
      %dma_wait3A_80 = arith.constant 0 : i32
      %dma_wait3A_81 = tpu.memref_slice %arg8[%select_n3A_78, %dma_wait3A_79, %dma_wait3A_80] : memref<2x128x128xf32, #tpu.memory_space<vmem>> -> memref<1x128x128xf32, #tpu.memory_space<vmem>>
      %dma_wait3A_82 = tpu.memref_squeeze %dma_wait3A_81 : memref<1x128x128xf32, #tpu.memory_space<vmem>> -> memref<128x128xf32, #tpu.memory_space<vmem>>
      %dma_wait3A_83 = arith.constant 0 : i32
      %dma_wait3A_84 = tpu.memref_slice %arg6[%while3A_62, %dma_wait3A_83] : memref<64x128xi32, #tpu.memory_space<vmem>> -> memref<1x128xi32, #tpu.memory_space<vmem>>
      %dma_wait3A_85 = tpu.memref_squeeze %dma_wait3A_84 : memref<1x128xi32, #tpu.memory_space<vmem>> -> memref<128xi32, #tpu.memory_space<vmem>>
      %dma_wait3A_86 = arith.constant 0 : i32
      %dma_wait3A_87 = arith.constant 0 : i32
      %dma_wait3A_88 = tpu.memref_slice %arg4[%dma_wait3A_86, %dma_wait3A_87] : memref<10240x128xf32, #tpu.memory_space<hbm>> -> memref<10240x128xf32, #tpu.memory_space<hbm>>
      tpu.wait_indirect_dma semaphore(%arg10 : memref<!tpu.dma_semaphore, #tpu.memory_space<semaphore_mem>>) src(%dma_wait3A_88 : memref<10240x128xf32, #tpu.memory_space<hbm>>) dst(%dma_wait3A_82 : memref<128x128xf32, #tpu.memory_space<vmem>>)
      %dma_start3A = arith.constant 0 : i32
      %dma_start3A_89 = arith.constant 0 : i32
      %dma_start3A_90 = tpu.memref_slice %arg8[%select_n3A_78, %dma_start3A, %dma_start3A_89] : memref<2x128x128xf32, #tpu.memory_space<vmem>> -> memref<1x128x128xf32, #tpu.memory_space<vmem>>
      %dma_start3A_91 = tpu.memref_squeeze %dma_start3A_90 : memref<1x128x128xf32, #tpu.memory_space<vmem>> -> memref<128x128xf32, #tpu.memory_space<vmem>>
      %dma_start3A_92 = arith.constant 0 : i32
      %dma_start3A_93 = tpu.memref_slice %arg7[%while3A_62, %dma_start3A_92] : memref<64x128xi32, #tpu.memory_space<vmem>> -> memref<1x128xi32, #tpu.memory_space<vmem>>
      %dma_start3A_94 = tpu.memref_squeeze %dma_start3A_93 : memref<1x128xi32, #tpu.memory_space<vmem>> -> memref<128xi32, #tpu.memory_space<vmem>>
      %dma_start3A_95 = arith.constant 0 : i32
      %dma_start3A_96 = arith.constant 0 : i32
      %dma_start3A_97 = tpu.memref_slice %arg9[%dma_start3A_95, %dma_start3A_96] : memref<10240x128xf32, #tpu.memory_space<vmem_shared>> -> memref<10240x128xf32, #tpu.memory_space<vmem_shared>>
      tpu.enqueue_indirect_dma source(%dma_start3A_91 : memref<128x128xf32, #tpu.memory_space<vmem>>) target(%dma_start3A_97 : memref<10240x128xf32, #tpu.memory_space<vmem_shared>>) offsets(%dma_start3A_94 : memref<128xi32, #tpu.memory_space<vmem>>) semaphore(%arg11 : memref<!tpu.dma_semaphore, #tpu.memory_space<semaphore_mem>>) {add = true}
      %ge3A = arith.constant 1 : i32
      %ge3A_98 = arith.cmpi sge, %while3A_62, %ge3A : i32
      %convert_element_type3A_99 = arith.extui %ge3A_98 : i1 to i32
      %cond3A_100 = arith.constant 0 : i32
      %cond3A_101 = arith.cmpi ne, %convert_element_type3A_99, %cond3A_100 : i32
      scf.if %cond3A_101 {
        %sub3A_102 = arith.constant 1 : i32
        %sub3A_103 = arith.subi %while3A_62, %sub3A_102 : i32
        %jit3A_104 = arith.constant 2 : i32
        %eq3A_105 = arith.constant 0 : i32
        %eq3A_106 = arith.cmpi eq, %jit3A_104, %eq3A_105 : i32
        %jit3A_107 = arith.constant 1 : i32
        %select_n3A_108 = arith.select %eq3A_106, %jit3A_107, %jit3A_104 : i32
        %rem3A_109 = arith.remsi %sub3A_103, %select_n3A_108 : i32
        %ne3A_110 = arith.constant 0 : i32
        %ne3A_111 = arith.cmpi ne, %rem3A_109, %ne3A_110 : i32
        %lt3A_112 = arith.constant 0 : i32
        %lt3A_113 = arith.cmpi slt, %rem3A_109, %lt3A_112 : i32
        %lt3A_114 = arith.constant 0 : i32
        %lt3A_115 = arith.cmpi slt, %select_n3A_108, %lt3A_114 : i32
        %ne3A_116 = arith.xori %lt3A_113, %lt3A_115 : i1
        %and3A_117 = arith.andi %ne3A_116, %ne3A_111 : i1
        %add3A_118 = arith.addi %rem3A_109, %select_n3A_108 : i32
        %select_n3A_119 = arith.select %and3A_117, %add3A_118, %rem3A_109 : i32
        %dma_wait3A_120 = arith.constant 0 : i32
        %dma_wait3A_121 = arith.constant 0 : i32
        %dma_wait3A_122 = tpu.memref_slice %arg8[%select_n3A_119, %dma_wait3A_120, %dma_wait3A_121] : memref<2x128x128xf32, #tpu.memory_space<vmem>> -> memref<1x128x128xf32, #tpu.memory_space<vmem>>
        %dma_wait3A_123 = tpu.memref_squeeze %dma_wait3A_122 : memref<1x128x128xf32, #tpu.memory_space<vmem>> -> memref<128x128xf32, #tpu.memory_space<vmem>>
        %dma_wait3A_124 = arith.constant 0 : i32
        %dma_wait3A_125 = tpu.memref_slice %arg7[%sub3A_103, %dma_wait3A_124] : memref<64x128xi32, #tpu.memory_space<vmem>> -> memref<1x128xi32, #tpu.memory_space<vmem>>
        %dma_wait3A_126 = tpu.memref_squeeze %dma_wait3A_125 : memref<1x128xi32, #tpu.memory_space<vmem>> -> memref<128xi32, #tpu.memory_space<vmem>>
        %dma_wait3A_127 = arith.constant 0 : i32
        %dma_wait3A_128 = arith.constant 0 : i32
        %dma_wait3A_129 = tpu.memref_slice %arg9[%dma_wait3A_127, %dma_wait3A_128] : memref<10240x128xf32, #tpu.memory_space<vmem_shared>> -> memref<10240x128xf32, #tpu.memory_space<vmem_shared>>
        tpu.wait_indirect_dma semaphore(%arg11 : memref<!tpu.dma_semaphore, #tpu.memory_space<semaphore_mem>>) src(%dma_wait3A_123 : memref<128x128xf32, #tpu.memory_space<vmem>>) dst(%dma_wait3A_129 : memref<10240x128xf32, #tpu.memory_space<vmem_shared>>)
        %add3A_130 = arith.constant 2 : i32
        %add3A_131 = arith.addi %sub3A_103, %add3A_130 : i32
        %lt3A_132 = arith.cmpi slt, %add3A_131, %select_n3A : i32
        %convert_element_type3A_133 = arith.extui %lt3A_132 : i1 to i32
        %cond3A_134 = arith.constant 0 : i32
        %cond3A_135 = arith.cmpi ne, %convert_element_type3A_133, %cond3A_134 : i32
        scf.if %cond3A_135 {
          %add3A_136 = arith.constant 2 : i32
          %add3A_137 = arith.addi %sub3A_103, %add3A_136 : i32
          %jit3A_138 = arith.constant 2 : i32
          %eq3A_139 = arith.constant 0 : i32
          %eq3A_140 = arith.cmpi eq, %jit3A_138, %eq3A_139 : i32
          %jit3A_141 = arith.constant 1 : i32
          %select_n3A_142 = arith.select %eq3A_140, %jit3A_141, %jit3A_138 : i32
          %rem3A_143 = arith.remsi %add3A_137, %select_n3A_142 : i32
          %ne3A_144 = arith.constant 0 : i32
          %ne3A_145 = arith.cmpi ne, %rem3A_143, %ne3A_144 : i32
          %lt3A_146 = arith.constant 0 : i32
          %lt3A_147 = arith.cmpi slt, %rem3A_143, %lt3A_146 : i32
          %lt3A_148 = arith.constant 0 : i32
          %lt3A_149 = arith.cmpi slt, %select_n3A_142, %lt3A_148 : i32
          %ne3A_150 = arith.xori %lt3A_147, %lt3A_149 : i1
          %and3A_151 = arith.andi %ne3A_150, %ne3A_145 : i1
          %add3A_152 = arith.addi %rem3A_143, %select_n3A_142 : i32
          %select_n3A_153 = arith.select %and3A_151, %add3A_152, %rem3A_143 : i32
          %dma_start3A_154 = arith.constant 0 : i32
          %dma_start3A_155 = arith.constant 0 : i32
          %dma_start3A_156 = tpu.memref_slice %arg8[%select_n3A_153, %dma_start3A_154, %dma_start3A_155] : memref<2x128x128xf32, #tpu.memory_space<vmem>> -> memref<1x128x128xf32, #tpu.memory_space<vmem>>
          %dma_start3A_157 = tpu.memref_squeeze %dma_start3A_156 : memref<1x128x128xf32, #tpu.memory_space<vmem>> -> memref<128x128xf32, #tpu.memory_space<vmem>>
          %dma_start3A_158 = arith.constant 0 : i32
          %dma_start3A_159 = tpu.memref_slice %arg6[%add3A_137, %dma_start3A_158] : memref<64x128xi32, #tpu.memory_space<vmem>> -> memref<1x128xi32, #tpu.memory_space<vmem>>
          %dma_start3A_160 = tpu.memref_squeeze %dma_start3A_159 : memref<1x128xi32, #tpu.memory_space<vmem>> -> memref<128xi32, #tpu.memory_space<vmem>>
          %dma_start3A_161 = arith.constant 0 : i32
          %dma_start3A_162 = arith.constant 0 : i32
          %dma_start3A_163 = tpu.memref_slice %arg4[%dma_start3A_161, %dma_start3A_162] : memref<10240x128xf32, #tpu.memory_space<hbm>> -> memref<10240x128xf32, #tpu.memory_space<hbm>>
          tpu.enqueue_indirect_dma source(%dma_start3A_163 : memref<10240x128xf32, #tpu.memory_space<hbm>>) target(%dma_start3A_157 : memref<128x128xf32, #tpu.memory_space<vmem>>) offsets(%dma_start3A_160 : memref<128xi32, #tpu.memory_space<vmem>>) semaphore(%arg10 : memref<!tpu.dma_semaphore, #tpu.memory_space<semaphore_mem>>)
        } else {
        }
      } else {
      }
    }
    %scan3A_31 = arith.constant 0 : i32
    %scan3A_32 = arith.constant 0 : i32
    %sub3A = arith.constant 1 : i32
    %sub3A_33 = arith.subi %select_n3A, %sub3A : i32
    %add3A_34 = arith.addi %sub3A_33, %scan3A_32 : i32
    %jit3A_35 = arith.constant 2 : i32
    %eq3A_36 = arith.constant 0 : i32
    %eq3A_37 = arith.cmpi eq, %jit3A_35, %eq3A_36 : i32
    %jit3A_38 = arith.constant 1 : i32
    %select_n3A_39 = arith.select %eq3A_37, %jit3A_38, %jit3A_35 : i32
    %rem3A = arith.remsi %add3A_34, %select_n3A_39 : i32
    %ne3A = arith.constant 0 : i32
    %ne3A_40 = arith.cmpi ne, %rem3A, %ne3A : i32
    %lt3A = arith.constant 0 : i32
    %lt3A_41 = arith.cmpi slt, %rem3A, %lt3A : i32
    %lt3A_42 = arith.constant 0 : i32
    %lt3A_43 = arith.cmpi slt, %select_n3A_39, %lt3A_42 : i32
    %ne3A_44 = arith.xori %lt3A_41, %lt3A_43 : i1
    %and3A = arith.andi %ne3A_44, %ne3A_40 : i1
    %add3A_45 = arith.addi %rem3A, %select_n3A_39 : i32
    %select_n3A_46 = arith.select %and3A, %add3A_45, %rem3A : i32
    %dma_wait3A = arith.constant 0 : i32
    %dma_wait3A_47 = arith.constant 0 : i32
    %dma_wait3A_48 = tpu.memref_slice %arg8[%select_n3A_46, %dma_wait3A, %dma_wait3A_47] : memref<2x128x128xf32, #tpu.memory_space<vmem>> -> memref<1x128x128xf32, #tpu.memory_space<vmem>>
    %dma_wait3A_49 = tpu.memref_squeeze %dma_wait3A_48 : memref<1x128x128xf32, #tpu.memory_space<vmem>> -> memref<128x128xf32, #tpu.memory_space<vmem>>
    %dma_wait3A_50 = arith.constant 0 : i32
    %dma_wait3A_51 = tpu.memref_slice %arg7[%add3A_34, %dma_wait3A_50] : memref<64x128xi32, #tpu.memory_space<vmem>> -> memref<1x128xi32, #tpu.memory_space<vmem>>
    %dma_wait3A_52 = tpu.memref_squeeze %dma_wait3A_51 : memref<1x128xi32, #tpu.memory_space<vmem>> -> memref<128xi32, #tpu.memory_space<vmem>>
    %dma_wait3A_53 = arith.constant 0 : i32
    %dma_wait3A_54 = arith.constant 0 : i32
    %dma_wait3A_55 = tpu.memref_slice %arg9[%dma_wait3A_53, %dma_wait3A_54] : memref<10240x128xf32, #tpu.memory_space<vmem_shared>> -> memref<10240x128xf32, #tpu.memory_space<vmem_shared>>
    tpu.wait_indirect_dma semaphore(%arg11 : memref<!tpu.dma_semaphore, #tpu.memory_space<semaphore_mem>>) src(%dma_wait3A_49 : memref<128x128xf32, #tpu.memory_space<vmem>>) dst(%dma_wait3A_55 : memref<10240x128xf32, #tpu.memory_space<vmem_shared>>)
    %scan3A_56 = arith.constant 1 : i32
    %barrier3A_57 = arith.constant 0 : index
    tpu.barrier barrier_id(%barrier3A_57)
    %mul3A_58 = arith.constant 640 : i32
    %mul3A_59 = arith.muli %arg1, %mul3A_58 : i32
    %mul3A_60 = arith.constant 640 : i32
    %mul3A_61 = arith.muli %arg1, %mul3A_60 : i32
    "tpu.region"() ({
      %run_scoped3A = tpu.sem_alloc : memref<!tpu.dma_semaphore, #tpu.memory_space<semaphore_mem>>
      %dma_start3A = arith.constant 0 : i32
      %dma_start3A_62 = arith.constant 0 : i32
      %dma_start3A_63 = tpu.memref_slice %arg5[%arg0, %dma_start3A, %dma_start3A_62] : memref<2x10240x128xf32, #tpu.memory_space<hbm>> -> memref<1x10240x128xf32, #tpu.memory_space<hbm>>
      %dma_start3A_64 = tpu.memref_squeeze %dma_start3A_63 : memref<1x10240x128xf32, #tpu.memory_space<hbm>> -> memref<10240x128xf32, #tpu.memory_space<hbm>>
      %dma_start3A_65 = arith.constant 0 : i32
      %dma_start3A_66 = tpu.memref_slice %dma_start3A_64[%mul3A_61, %dma_start3A_65] : memref<10240x128xf32, #tpu.memory_space<hbm>> -> memref<640x128xf32, #tpu.memory_space<hbm>>
      %dma_start3A_67 = arith.constant 0 : i32
      %dma_start3A_68 = tpu.memref_slice %arg9[%mul3A_59, %dma_start3A_67] : memref<10240x128xf32, #tpu.memory_space<vmem_shared>> -> memref<640x128xf32, #tpu.memory_space<vmem_shared>>
      tpu.enqueue_dma source(%dma_start3A_68 : memref<640x128xf32, #tpu.memory_space<vmem_shared>>) target(%dma_start3A_66 : memref<640x128xf32, #tpu.memory_space<hbm>>) target_semaphore(%run_scoped3A : memref<!tpu.dma_semaphore, #tpu.memory_space<semaphore_mem>>)
      %dma_wait3A_69 = arith.constant 0 : i32
      %dma_wait3A_70 = arith.constant 0 : i32
      %dma_wait3A_71 = tpu.memref_slice %arg5[%arg0, %dma_wait3A_69, %dma_wait3A_70] : memref<2x10240x128xf32, #tpu.memory_space<hbm>> -> memref<1x10240x128xf32, #tpu.memory_space<hbm>>
      %dma_wait3A_72 = tpu.memref_squeeze %dma_wait3A_71 : memref<1x10240x128xf32, #tpu.memory_space<hbm>> -> memref<10240x128xf32, #tpu.memory_space<hbm>>
      %dma_wait3A_73 = arith.constant 0 : i32
      %dma_wait3A_74 = tpu.memref_slice %dma_wait3A_72[%mul3A_61, %dma_wait3A_73] : memref<10240x128xf32, #tpu.memory_space<hbm>> -> memref<640x128xf32, #tpu.memory_space<hbm>>
      %dma_wait3A_75 = arith.constant 0 : i32
      %dma_wait3A_76 = tpu.memref_slice %arg9[%mul3A_59, %dma_wait3A_75] : memref<10240x128xf32, #tpu.memory_space<vmem_shared>> -> memref<640x128xf32, #tpu.memory_space<vmem_shared>>
      tpu.wait_dma2 semaphore(%run_scoped3A : memref<!tpu.dma_semaphore, #tpu.memory_space<semaphore_mem>>) src(%dma_wait3A_76 : memref<640x128xf32, #tpu.memory_space<vmem_shared>>) dst(%dma_wait3A_74 : memref<640x128xf32, #tpu.memory_space<hbm>>)
      tpu.yield
    }) : () -> ()
    return
  }
}

#map = affine_map<(d0, d1) -> (0, 0)>
#map1 = affine_map<(d0, d1) -> (0, 0, 0)>
module attributes {stable_mosaic.version = 14 : i64} {
  func.func @_deg_kernel(%arg0: i32, %arg1: i32, %arg2: memref<1344x128xi32, #tpu.memory_space<hbm>>, %arg3: memref<2x10240x128xf32, #tpu.memory_space<hbm>>, %arg4: memref<40x128xi32, #tpu.memory_space<vmem>>, %arg5: memref<128x128xf32, #tpu.memory_space<vmem>>, %arg6: memref<160x128xf32, #tpu.memory_space<vmem>>, %arg7: memref<10240x128xf32, #tpu.memory_space<vmem_shared>>, %arg8: memref<!tpu.dma_semaphore, #tpu.memory_space<semaphore_mem>>) attributes {dimension_semantics = [#tpu.dimension_semantics<core_parallel>, #tpu.dimension_semantics<subcore_parallel>], iteration_bounds = array<i64: 2, 16>, scalar_prefetch = 0 : i64, scratch_operands = 5 : i64, tpu.core_type = #tpu.core_type<sc_vector_subcore>, window_params = [{transform_indices = #map}, {transform_indices = #map1}]} {
    %mul3A = arith.constant 2 : i32
    %mul3A_0 = arith.muli %arg1, %mul3A : i32
    %add3A = arith.addi %mul3A_0, %arg0 : i32
    %broadcast_in_dim3A = arith.constant 0.000000e+00 : f32
    %broadcast_in_dim3A_1 = vector.broadcast %broadcast_in_dim3A : f32 to vector<16xf32>
    %broadcast_in_dim3A_2 = arith.constant 1.000000e+00 : f32
    %broadcast_in_dim3A_3 = vector.broadcast %broadcast_in_dim3A_2 : f32 to vector<16xf32>
    %scan3A = arith.constant 0 : i32
    %scan3A_4 = arith.constant 0 : i32
    %scan3A_5 = arith.constant 1024 : i32
    %scan3A_6 = arith.addi %scan3A_4, %scan3A_5 : i32
    %scan3A_7 = arith.constant 1 : i32
    scf.for %scan3A_40 = %scan3A_4 to %scan3A_6 step %scan3A_7  : i32 {
      %jit3A = arith.constant 8 : i32
      %div3A = arith.divsi %scan3A_40, %jit3A : i32
      %sign3A = arith.constant 0 : i32
      %sign3A_41 = arith.cmpi sgt, %scan3A_40, %sign3A : i32
      %sign3A_42 = arith.extui %sign3A_41 : i1 to i32
      %sign3A_43 = arith.constant 0 : i32
      %sign3A_44 = arith.cmpi slt, %scan3A_40, %sign3A_43 : i32
      %sign3A_45 = arith.extui %sign3A_44 : i1 to i32
      %sign3A_46 = arith.subi %sign3A_42, %sign3A_45 : i32
      %sign3A_47 = arith.constant 0 : i32
      %sign3A_48 = arith.cmpi sgt, %jit3A, %sign3A_47 : i32
      %sign3A_49 = arith.extui %sign3A_48 : i1 to i32
      %sign3A_50 = arith.constant 0 : i32
      %sign3A_51 = arith.cmpi slt, %jit3A, %sign3A_50 : i32
      %sign3A_52 = arith.extui %sign3A_51 : i1 to i32
      %sign3A_53 = arith.subi %sign3A_49, %sign3A_52 : i32
      %ne3A = arith.cmpi ne, %sign3A_46, %sign3A_53 : i32
      %rem3A = arith.remsi %scan3A_40, %jit3A : i32
      %ne3A_54 = arith.constant 0 : i32
      %ne3A_55 = arith.cmpi ne, %rem3A, %ne3A_54 : i32
      %and3A = arith.andi %ne3A, %ne3A_55 : i1
      %sub3A = arith.constant 1 : i32
      %sub3A_56 = arith.subi %div3A, %sub3A : i32
      %select_n3A = arith.select %and3A, %sub3A_56, %div3A : i32
      %jit3A_57 = arith.constant 8 : i32
      %eq3A = arith.constant 0 : i32
      %eq3A_58 = arith.cmpi eq, %jit3A_57, %eq3A : i32
      %jit3A_59 = arith.constant 1 : i32
      %select_n3A_60 = arith.select %eq3A_58, %jit3A_59, %jit3A_57 : i32
      %rem3A_61 = arith.remsi %scan3A_40, %select_n3A_60 : i32
      %ne3A_62 = arith.constant 0 : i32
      %ne3A_63 = arith.cmpi ne, %rem3A_61, %ne3A_62 : i32
      %lt3A = arith.constant 0 : i32
      %lt3A_64 = arith.cmpi slt, %rem3A_61, %lt3A : i32
      %lt3A_65 = arith.constant 0 : i32
      %lt3A_66 = arith.cmpi slt, %select_n3A_60, %lt3A_65 : i32
      %ne3A_67 = arith.xori %lt3A_64, %lt3A_66 : i1
      %and3A_68 = arith.andi %ne3A_67, %ne3A_63 : i1
      %add3A_69 = arith.addi %rem3A_61, %select_n3A_60 : i32
      %select_n3A_70 = arith.select %and3A_68, %add3A_69, %rem3A_61 : i32
      %mul3A_71 = arith.constant 16 : i32
      %mul3A_72 = arith.muli %select_n3A_70, %mul3A_71 : i32
      %swap3A = arith.index_cast %select_n3A : i32 to index
      %swap3A_73 = arith.index_cast %mul3A_72 : i32 to index
      %swap3A_74 = tpu.vector_load %arg5[%swap3A, %swap3A_73] {strides = array<i32>} : memref<128x128xf32, #tpu.memory_space<vmem>>, vector<1x16xf32>,
      %swap3A_75 = vector.shape_cast %swap3A_74 : vector<1x16xf32> to vector<16xf32>
      %swap3A_76 = vector.shape_cast %broadcast_in_dim3A_3 : vector<16xf32> to vector<1x16xf32>
      tpu.vector_store %arg5[%swap3A, %swap3A_73], %swap3A_76 {strides = array<i32>} : memref<128x128xf32, #tpu.memory_space<vmem>>, vector<1x16xf32>,
    }
    %scan3A_8 = arith.constant 1024 : i32
    %scan3A_9 = arith.constant 0 : i32
    %scan3A_10 = arith.constant 0 : i32
    %scan3A_11 = arith.constant 1280 : i32
    %scan3A_12 = arith.addi %scan3A_10, %scan3A_11 : i32
    %scan3A_13 = arith.constant 1 : i32
    scf.for %scan3A_40 = %scan3A_10 to %scan3A_12 step %scan3A_13  : i32 {
      %jit3A = arith.constant 8 : i32
      %div3A = arith.divsi %scan3A_40, %jit3A : i32
      %sign3A = arith.constant 0 : i32
      %sign3A_41 = arith.cmpi sgt, %scan3A_40, %sign3A : i32
      %sign3A_42 = arith.extui %sign3A_41 : i1 to i32
      %sign3A_43 = arith.constant 0 : i32
      %sign3A_44 = arith.cmpi slt, %scan3A_40, %sign3A_43 : i32
      %sign3A_45 = arith.extui %sign3A_44 : i1 to i32
      %sign3A_46 = arith.subi %sign3A_42, %sign3A_45 : i32
      %sign3A_47 = arith.constant 0 : i32
      %sign3A_48 = arith.cmpi sgt, %jit3A, %sign3A_47 : i32
      %sign3A_49 = arith.extui %sign3A_48 : i1 to i32
      %sign3A_50 = arith.constant 0 : i32
      %sign3A_51 = arith.cmpi slt, %jit3A, %sign3A_50 : i32
      %sign3A_52 = arith.extui %sign3A_51 : i1 to i32
      %sign3A_53 = arith.subi %sign3A_49, %sign3A_52 : i32
      %ne3A = arith.cmpi ne, %sign3A_46, %sign3A_53 : i32
      %rem3A = arith.remsi %scan3A_40, %jit3A : i32
      %ne3A_54 = arith.constant 0 : i32
      %ne3A_55 = arith.cmpi ne, %rem3A, %ne3A_54 : i32
      %and3A = arith.andi %ne3A, %ne3A_55 : i1
      %sub3A = arith.constant 1 : i32
      %sub3A_56 = arith.subi %div3A, %sub3A : i32
      %select_n3A = arith.select %and3A, %sub3A_56, %div3A : i32
      %jit3A_57 = arith.constant 8 : i32
      %eq3A = arith.constant 0 : i32
      %eq3A_58 = arith.cmpi eq, %jit3A_57, %eq3A : i32
      %jit3A_59 = arith.constant 1 : i32
      %select_n3A_60 = arith.select %eq3A_58, %jit3A_59, %jit3A_57 : i32
      %rem3A_61 = arith.remsi %scan3A_40, %select_n3A_60 : i32
      %ne3A_62 = arith.constant 0 : i32
      %ne3A_63 = arith.cmpi ne, %rem3A_61, %ne3A_62 : i32
      %lt3A = arith.constant 0 : i32
      %lt3A_64 = arith.cmpi slt, %rem3A_61, %lt3A : i32
      %lt3A_65 = arith.constant 0 : i32
      %lt3A_66 = arith.cmpi slt, %select_n3A_60, %lt3A_65 : i32
      %ne3A_67 = arith.xori %lt3A_64, %lt3A_66 : i1
      %and3A_68 = arith.andi %ne3A_67, %ne3A_63 : i1
      %add3A_69 = arith.addi %rem3A_61, %select_n3A_60 : i32
      %select_n3A_70 = arith.select %and3A_68, %add3A_69, %rem3A_61 : i32
      %mul3A_71 = arith.constant 16 : i32
      %mul3A_72 = arith.muli %select_n3A_70, %mul3A_71 : i32
      %swap3A = arith.index_cast %select_n3A : i32 to index
      %swap3A_73 = arith.index_cast %mul3A_72 : i32 to index
      %swap3A_74 = tpu.vector_load %arg6[%swap3A, %swap3A_73] {strides = array<i32>} : memref<160x128xf32, #tpu.memory_space<vmem>>, vector<1x16xf32>,
      %swap3A_75 = vector.shape_cast %swap3A_74 : vector<1x16xf32> to vector<16xf32>
      %swap3A_76 = vector.shape_cast %broadcast_in_dim3A_1 : vector<16xf32> to vector<1x16xf32>
      tpu.vector_store %arg6[%swap3A, %swap3A_73], %swap3A_76 {strides = array<i32>} : memref<160x128xf32, #tpu.memory_space<vmem>>, vector<1x16xf32>,
    }
    %scan3A_14 = arith.constant 1280 : i32
    %scan3A_15 = arith.constant 0 : i32
    %scan3A_16 = arith.constant 0 : i32
    %scan3A_17 = arith.constant 4 : i32
    %scan3A_18 = arith.addi %scan3A_16, %scan3A_17 : i32
    %scan3A_19 = arith.constant 1 : i32
    scf.for %scan3A_40 = %scan3A_16 to %scan3A_18 step %scan3A_19  : i32 {
      %mul3A_41 = arith.constant 640 : i32
      %mul3A_42 = arith.muli %arg1, %mul3A_41 : i32
      %mul3A_43 = arith.constant 160 : i32
      %mul3A_44 = arith.muli %scan3A_40, %mul3A_43 : i32
      %add3A_45 = arith.addi %mul3A_42, %mul3A_44 : i32
      "tpu.region"() ({
        %run_scoped3A = tpu.sem_alloc : memref<!tpu.dma_semaphore, #tpu.memory_space<semaphore_mem>>
        %dma_start3A = arith.constant 0 : i32
        %dma_start3A_46 = tpu.memref_slice %arg7[%add3A_45, %dma_start3A] : memref<10240x128xf32, #tpu.memory_space<vmem_shared>> -> memref<160x128xf32, #tpu.memory_space<vmem_shared>>
        %dma_start3A_47 = arith.constant 0 : i32
        %dma_start3A_48 = tpu.memref_slice %arg7[%add3A_45, %dma_start3A_47] : memref<10240x128xf32, #tpu.memory_space<vmem_shared>> -> memref<160x128xf32, #tpu.memory_space<vmem_shared>>
        tpu.enqueue_dma source(%arg6 : memref<160x128xf32, #tpu.memory_space<vmem>>) target(%dma_start3A_48 : memref<160x128xf32, #tpu.memory_space<vmem_shared>>) target_semaphore(%run_scoped3A : memref<!tpu.dma_semaphore, #tpu.memory_space<semaphore_mem>>)
        %dma_wait3A = arith.constant 0 : i32
        %dma_wait3A_49 = tpu.memref_slice %arg7[%add3A_45, %dma_wait3A] : memref<10240x128xf32, #tpu.memory_space<vmem_shared>> -> memref<160x128xf32, #tpu.memory_space<vmem_shared>>
        %dma_wait3A_50 = arith.constant 0 : i32
        %dma_wait3A_51 = tpu.memref_slice %arg7[%add3A_45, %dma_wait3A_50] : memref<10240x128xf32, #tpu.memory_space<vmem_shared>> -> memref<160x128xf32, #tpu.memory_space<vmem_shared>>
        tpu.wait_dma2 semaphore(%run_scoped3A : memref<!tpu.dma_semaphore, #tpu.memory_space<semaphore_mem>>) src(%arg6 : memref<160x128xf32, #tpu.memory_space<vmem>>) dst(%dma_wait3A_51 : memref<160x128xf32, #tpu.memory_space<vmem_shared>>)
        tpu.yield
      }) : () -> ()
    }
    %scan3A_20 = arith.constant 4 : i32
    %mul3A_21 = arith.constant 40 : i32
    %mul3A_22 = arith.muli %add3A, %mul3A_21 : i32
    "tpu.region"() ({
      %run_scoped3A = tpu.sem_alloc : memref<!tpu.dma_semaphore, #tpu.memory_space<semaphore_mem>>
      %dma_start3A = arith.constant 0 : i32
      %dma_start3A_40 = tpu.memref_slice %arg2[%mul3A_22, %dma_start3A] : memref<1344x128xi32, #tpu.memory_space<hbm>> -> memref<40x128xi32, #tpu.memory_space<hbm>>
      %dma_start3A_41 = arith.constant 0 : i32
      %dma_start3A_42 = tpu.memref_slice %arg2[%mul3A_22, %dma_start3A_41] : memref<1344x128xi32, #tpu.memory_space<hbm>> -> memref<40x128xi32, #tpu.memory_space<hbm>>
      tpu.enqueue_dma source(%dma_start3A_42 : memref<40x128xi32, #tpu.memory_space<hbm>>) target(%arg4 : memref<40x128xi32, #tpu.memory_space<vmem>>) target_semaphore(%run_scoped3A : memref<!tpu.dma_semaphore, #tpu.memory_space<semaphore_mem>>)
      %dma_wait3A = arith.constant 0 : i32
      %dma_wait3A_43 = tpu.memref_slice %arg2[%mul3A_22, %dma_wait3A] : memref<1344x128xi32, #tpu.memory_space<hbm>> -> memref<40x128xi32, #tpu.memory_space<hbm>>
      %dma_wait3A_44 = arith.constant 0 : i32
      %dma_wait3A_45 = tpu.memref_slice %arg2[%mul3A_22, %dma_wait3A_44] : memref<1344x128xi32, #tpu.memory_space<hbm>> -> memref<40x128xi32, #tpu.memory_space<hbm>>
      tpu.wait_dma2 semaphore(%run_scoped3A : memref<!tpu.dma_semaphore, #tpu.memory_space<semaphore_mem>>) src(%dma_wait3A_45 : memref<40x128xi32, #tpu.memory_space<hbm>>) dst(%arg4 : memref<40x128xi32, #tpu.memory_space<vmem>>)
      tpu.yield
    }) : () -> ()
    %barrier3A = arith.constant 0 : index
    tpu.barrier barrier_id(%barrier3A)
    %scan3A_23 = arith.constant 0 : i32
    %scan3A_24 = arith.constant 0 : i32
    %scan3A_25 = arith.constant 40 : i32
    %scan3A_26 = arith.addi %scan3A_24, %scan3A_25 : i32
    %scan3A_27 = arith.constant 1 : i32
    scf.for %scan3A_40 = %scan3A_24 to %scan3A_26 step %scan3A_27  : i32 {
      %dma_start3A = arith.constant 0 : i32
      %dma_start3A_41 = tpu.memref_slice %arg4[%scan3A_40, %dma_start3A] : memref<40x128xi32, #tpu.memory_space<vmem>> -> memref<1x128xi32, #tpu.memory_space<vmem>>
      %dma_start3A_42 = tpu.memref_squeeze %dma_start3A_41 : memref<1x128xi32, #tpu.memory_space<vmem>> -> memref<128xi32, #tpu.memory_space<vmem>>
      %dma_start3A_43 = arith.constant 0 : i32
      %dma_start3A_44 = arith.constant 0 : i32
      %dma_start3A_45 = tpu.memref_slice %arg7[%dma_start3A_43, %dma_start3A_44] : memref<10240x128xf32, #tpu.memory_space<vmem_shared>> -> memref<10240x128xf32, #tpu.memory_space<vmem_shared>>
      tpu.enqueue_indirect_dma source(%arg5 : memref<128x128xf32, #tpu.memory_space<vmem>>) target(%dma_start3A_45 : memref<10240x128xf32, #tpu.memory_space<vmem_shared>>) offsets(%dma_start3A_42 : memref<128xi32, #tpu.memory_space<vmem>>) semaphore(%arg8 : memref<!tpu.dma_semaphore, #tpu.memory_space<semaphore_mem>>) {add = true}
    }
    %scan3A_28 = arith.constant 40 : i32
    %scan3A_29 = arith.constant 0 : i32
    %scan3A_30 = arith.constant 0 : i32
    %scan3A_31 = arith.constant 40 : i32
    %scan3A_32 = arith.addi %scan3A_30, %scan3A_31 : i32
    %scan3A_33 = arith.constant 1 : i32
    scf.for %scan3A_40 = %scan3A_30 to %scan3A_32 step %scan3A_33  : i32 {
      %dma_wait3A = arith.constant 0 : i32
      %dma_wait3A_41 = tpu.memref_slice %arg4[%scan3A_40, %dma_wait3A] : memref<40x128xi32, #tpu.memory_space<vmem>> -> memref<1x128xi32, #tpu.memory_space<vmem>>
      %dma_wait3A_42 = tpu.memref_squeeze %dma_wait3A_41 : memref<1x128xi32, #tpu.memory_space<vmem>> -> memref<128xi32, #tpu.memory_space<vmem>>
      %dma_wait3A_43 = arith.constant 0 : i32
      %dma_wait3A_44 = arith.constant 0 : i32
      %dma_wait3A_45 = tpu.memref_slice %arg7[%dma_wait3A_43, %dma_wait3A_44] : memref<10240x128xf32, #tpu.memory_space<vmem_shared>> -> memref<10240x128xf32, #tpu.memory_space<vmem_shared>>
      tpu.wait_indirect_dma semaphore(%arg8 : memref<!tpu.dma_semaphore, #tpu.memory_space<semaphore_mem>>) src(%arg5 : memref<128x128xf32, #tpu.memory_space<vmem>>) dst(%dma_wait3A_45 : memref<10240x128xf32, #tpu.memory_space<vmem_shared>>)
    }
    %scan3A_34 = arith.constant 40 : i32
    %barrier3A_35 = arith.constant 0 : index
    tpu.barrier barrier_id(%barrier3A_35)
    %mul3A_36 = arith.constant 640 : i32
    %mul3A_37 = arith.muli %arg1, %mul3A_36 : i32
    %mul3A_38 = arith.constant 640 : i32
    %mul3A_39 = arith.muli %arg1, %mul3A_38 : i32
    "tpu.region"() ({
      %run_scoped3A = tpu.sem_alloc : memref<!tpu.dma_semaphore, #tpu.memory_space<semaphore_mem>>
      %dma_start3A = arith.constant 0 : i32
      %dma_start3A_40 = arith.constant 0 : i32
      %dma_start3A_41 = tpu.memref_slice %arg3[%arg0, %dma_start3A, %dma_start3A_40] : memref<2x10240x128xf32, #tpu.memory_space<hbm>> -> memref<1x10240x128xf32, #tpu.memory_space<hbm>>
      %dma_start3A_42 = tpu.memref_squeeze %dma_start3A_41 : memref<1x10240x128xf32, #tpu.memory_space<hbm>> -> memref<10240x128xf32, #tpu.memory_space<hbm>>
      %dma_start3A_43 = arith.constant 0 : i32
      %dma_start3A_44 = tpu.memref_slice %dma_start3A_42[%mul3A_39, %dma_start3A_43] : memref<10240x128xf32, #tpu.memory_space<hbm>> -> memref<640x128xf32, #tpu.memory_space<hbm>>
      %dma_start3A_45 = arith.constant 0 : i32
      %dma_start3A_46 = tpu.memref_slice %arg7[%mul3A_37, %dma_start3A_45] : memref<10240x128xf32, #tpu.memory_space<vmem_shared>> -> memref<640x128xf32, #tpu.memory_space<vmem_shared>>
      tpu.enqueue_dma source(%dma_start3A_46 : memref<640x128xf32, #tpu.memory_space<vmem_shared>>) target(%dma_start3A_44 : memref<640x128xf32, #tpu.memory_space<hbm>>) target_semaphore(%run_scoped3A : memref<!tpu.dma_semaphore, #tpu.memory_space<semaphore_mem>>)
      %dma_wait3A = arith.constant 0 : i32
      %dma_wait3A_47 = arith.constant 0 : i32
      %dma_wait3A_48 = tpu.memref_slice %arg3[%arg0, %dma_wait3A, %dma_wait3A_47] : memref<2x10240x128xf32, #tpu.memory_space<hbm>> -> memref<1x10240x128xf32, #tpu.memory_space<hbm>>
      %dma_wait3A_49 = tpu.memref_squeeze %dma_wait3A_48 : memref<1x10240x128xf32, #tpu.memory_space<hbm>> -> memref<10240x128xf32, #tpu.memory_space<hbm>>
      %dma_wait3A_50 = arith.constant 0 : i32
      %dma_wait3A_51 = tpu.memref_slice %dma_wait3A_49[%mul3A_39, %dma_wait3A_50] : memref<10240x128xf32, #tpu.memory_space<hbm>> -> memref<640x128xf32, #tpu.memory_space<hbm>>
      %dma_wait3A_52 = arith.constant 0 : i32
      %dma_wait3A_53 = tpu.memref_slice %arg7[%mul3A_37, %dma_wait3A_52] : memref<10240x128xf32, #tpu.memory_space<vmem_shared>> -> memref<640x128xf32, #tpu.memory_space<vmem_shared>>
      tpu.wait_dma2 semaphore(%run_scoped3A : memref<!tpu.dma_semaphore, #tpu.memory_space<semaphore_mem>>) src(%dma_wait3A_53 : memref<640x128xf32, #tpu.memory_space<vmem_shared>>) dst(%dma_wait3A_51 : memref<640x128xf32, #tpu.memory_space<hbm>>)
      tpu.yield
    }) : () -> ()
    return
  }
}

#map = affine_map<(d0, d1) -> (0, 0)>
#map1 = affine_map<(d0, d1) -> (0, 0, 0)>
module attributes {stable_mosaic.version = 14 : i64} {
  func.func @agg(%arg0: i32, %arg1: i32, %arg2: memref<1344x128xi32, #tpu.memory_space<hbm>>, %arg3: memref<1344x128xi32, #tpu.memory_space<hbm>>, %arg4: memref<10240x128xf32, #tpu.memory_space<hbm>>, %arg5: memref<2x10240x128xf32, #tpu.memory_space<hbm>>, %arg6: memref<64x128xi32, #tpu.memory_space<vmem>>, %arg7: memref<64x128xi32, #tpu.memory_space<vmem>>, %arg8: memref<2x128x128xf32, #tpu.memory_space<vmem>>, %arg9: memref<10240x128xf32, #tpu.memory_space<vmem_shared>>, %arg10: memref<!tpu.dma_semaphore, #tpu.memory_space<semaphore_mem>>, %arg11: memref<!tpu.dma_semaphore, #tpu.memory_space<semaphore_mem>>) attributes {dimension_semantics = [#tpu.dimension_semantics<core_parallel>, #tpu.dimension_semantics<subcore_parallel>], iteration_bounds = array<i64: 2, 16>, scalar_prefetch = 0 : i64, scratch_operands = 6 : i64, tpu.core_type = #tpu.core_type<sc_vector_subcore>, window_params = [{transform_indices = #map}, {transform_indices = #map}, {transform_indices = #map}, {transform_indices = #map1}]} {
    %eq3A = arith.constant 0 : i32
    %eq3A_0 = arith.cmpi eq, %arg0, %eq3A : i32
    %jit3A = arith.constant 64 : i32
    %jit3A_1 = arith.constant 16 : i32
    %select_n3A = arith.select %eq3A_0, %jit3A, %jit3A_1 : i32
    %eq3A_2 = arith.constant 0 : i32
    %eq3A_3 = arith.cmpi eq, %arg0, %eq3A_2 : i32
    %mul3A = arith.constant 64 : i32
    %mul3A_4 = arith.muli %arg1, %mul3A : i32
    %mul3A_5 = arith.constant 16 : i32
    %mul3A_6 = arith.muli %arg1, %mul3A_5 : i32
    %add3A = arith.constant 1024 : i32
    %add3A_7 = arith.addi %add3A, %mul3A_6 : i32
    %select_n3A_8 = arith.select %eq3A_3, %mul3A_4, %add3A_7 : i32
    %eq3A_9 = arith.constant 0 : i32
    %eq3A_10 = arith.cmpi eq, %arg0, %eq3A_9 : i32
    %convert_element_type3A = arith.extui %eq3A_10 : i1 to i32
    %cond3A = arith.constant 0 : i32
    %cond3A_11 = arith.cmpi ne, %convert_element_type3A, %cond3A : i32
    scf.if %cond3A_11 {
      %mul3A_62 = arith.constant 640 : i32
      %mul3A_63 = arith.muli %arg1, %mul3A_62 : i32
      %mul3A_64 = arith.constant 640 : i32
      %mul3A_65 = arith.muli %arg1, %mul3A_64 : i32
      "tpu.region"() ({
        %run_scoped3A = tpu.sem_alloc : memref<!tpu.dma_semaphore, #tpu.memory_space<semaphore_mem>>
        %dma_start3A = arith.constant 0 : i32
        %dma_start3A_66 = tpu.memref_slice %arg9[%mul3A_65, %dma_start3A] : memref<10240x128xf32, #tpu.memory_space<vmem_shared>> -> memref<640x128xf32, #tpu.memory_space<vmem_shared>>
        %dma_start3A_67 = arith.constant 0 : i32
        %dma_start3A_68 = tpu.memref_slice %arg4[%mul3A_63, %dma_start3A_67] : memref<10240x128xf32, #tpu.memory_space<hbm>> -> memref<640x128xf32, #tpu.memory_space<hbm>>
        tpu.enqueue_dma source(%dma_start3A_68 : memref<640x128xf32, #tpu.memory_space<hbm>>) target(%dma_start3A_66 : memref<640x128xf32, #tpu.memory_space<vmem_shared>>) target_semaphore(%run_scoped3A : memref<!tpu.dma_semaphore, #tpu.memory_space<semaphore_mem>>)
        %dma_wait3A_69 = arith.constant 0 : i32
        %dma_wait3A_70 = tpu.memref_slice %arg9[%mul3A_65, %dma_wait3A_69] : memref<10240x128xf32, #tpu.memory_space<vmem_shared>> -> memref<640x128xf32, #tpu.memory_space<vmem_shared>>
        %dma_wait3A_71 = arith.constant 0 : i32
        %dma_wait3A_72 = tpu.memref_slice %arg4[%mul3A_63, %dma_wait3A_71] : memref<10240x128xf32, #tpu.memory_space<hbm>> -> memref<640x128xf32, #tpu.memory_space<hbm>>
        tpu.wait_dma2 semaphore(%run_scoped3A : memref<!tpu.dma_semaphore, #tpu.memory_space<semaphore_mem>>) src(%dma_wait3A_72 : memref<640x128xf32, #tpu.memory_space<hbm>>) dst(%dma_wait3A_70 : memref<640x128xf32, #tpu.memory_space<vmem_shared>>)
        tpu.yield
      }) : () -> ()
    } else {
    }
    %eq3A_12 = arith.constant 1 : i32
    %eq3A_13 = arith.cmpi eq, %arg0, %eq3A_12 : i32
    %convert_element_type3A_14 = arith.extui %eq3A_13 : i1 to i32
    %cond3A_15 = arith.constant 0 : i32
    %cond3A_16 = arith.cmpi ne, %convert_element_type3A_14, %cond3A_15 : i32
    scf.if %cond3A_16 {
      %broadcast_in_dim3A = arith.constant 0.000000e+00 : f32
      %broadcast_in_dim3A_62 = vector.broadcast %broadcast_in_dim3A : f32 to vector<16xf32>
      %scan3A_63 = arith.constant 0 : i32
      %scan3A_64 = arith.constant 0 : i32
      %scan3A_65 = arith.constant 1024 : i32
      %scan3A_66 = arith.addi %scan3A_64, %scan3A_65 : i32
      %scan3A_67 = arith.constant 1 : i32
      scf.for %scan3A_75 = %scan3A_64 to %scan3A_66 step %scan3A_67  : i32 {
        %jit3A_76 = arith.constant 8 : i32
        %div3A = arith.divsi %scan3A_75, %jit3A_76 : i32
        %sign3A = arith.constant 0 : i32
        %sign3A_77 = arith.cmpi sgt, %scan3A_75, %sign3A : i32
        %sign3A_78 = arith.extui %sign3A_77 : i1 to i32
        %sign3A_79 = arith.constant 0 : i32
        %sign3A_80 = arith.cmpi slt, %scan3A_75, %sign3A_79 : i32
        %sign3A_81 = arith.extui %sign3A_80 : i1 to i32
        %sign3A_82 = arith.subi %sign3A_78, %sign3A_81 : i32
        %sign3A_83 = arith.constant 0 : i32
        %sign3A_84 = arith.cmpi sgt, %jit3A_76, %sign3A_83 : i32
        %sign3A_85 = arith.extui %sign3A_84 : i1 to i32
        %sign3A_86 = arith.constant 0 : i32
        %sign3A_87 = arith.cmpi slt, %jit3A_76, %sign3A_86 : i32
        %sign3A_88 = arith.extui %sign3A_87 : i1 to i32
        %sign3A_89 = arith.subi %sign3A_85, %sign3A_88 : i32
        %ne3A_90 = arith.cmpi ne, %sign3A_82, %sign3A_89 : i32
        %rem3A_91 = arith.remsi %scan3A_75, %jit3A_76 : i32
        %ne3A_92 = arith.constant 0 : i32
        %ne3A_93 = arith.cmpi ne, %rem3A_91, %ne3A_92 : i32
        %and3A_94 = arith.andi %ne3A_90, %ne3A_93 : i1
        %sub3A_95 = arith.constant 1 : i32
        %sub3A_96 = arith.subi %div3A, %sub3A_95 : i32
        %select_n3A_97 = arith.select %and3A_94, %sub3A_96, %div3A : i32
        %jit3A_98 = arith.constant 8 : i32
        %eq3A_99 = arith.constant 0 : i32
        %eq3A_100 = arith.cmpi eq, %jit3A_98, %eq3A_99 : i32
        %jit3A_101 = arith.constant 1 : i32
        %select_n3A_102 = arith.select %eq3A_100, %jit3A_101, %jit3A_98 : i32
        %rem3A_103 = arith.remsi %scan3A_75, %select_n3A_102 : i32
        %ne3A_104 = arith.constant 0 : i32
        %ne3A_105 = arith.cmpi ne, %rem3A_103, %ne3A_104 : i32
        %lt3A_106 = arith.constant 0 : i32
        %lt3A_107 = arith.cmpi slt, %rem3A_103, %lt3A_106 : i32
        %lt3A_108 = arith.constant 0 : i32
        %lt3A_109 = arith.cmpi slt, %select_n3A_102, %lt3A_108 : i32
        %ne3A_110 = arith.xori %lt3A_107, %lt3A_109 : i1
        %and3A_111 = arith.andi %ne3A_110, %ne3A_105 : i1
        %add3A_112 = arith.addi %rem3A_103, %select_n3A_102 : i32
        %select_n3A_113 = arith.select %and3A_111, %add3A_112, %rem3A_103 : i32
        %mul3A_114 = arith.constant 16 : i32
        %mul3A_115 = arith.muli %select_n3A_113, %mul3A_114 : i32
        %swap3A = arith.constant 0 : i32
        %swap3A_116 = arith.index_cast %swap3A : i32 to index
        %swap3A_117 = arith.index_cast %select_n3A_97 : i32 to index
        %swap3A_118 = arith.index_cast %mul3A_115 : i32 to index
        %swap3A_119 = tpu.vector_load %arg8[%swap3A_116, %swap3A_117, %swap3A_118] {strides = array<i32>} : memref<2x128x128xf32, #tpu.memory_space<vmem>>, vector<1x1x16xf32>,
        %swap3A_120 = vector.shape_cast %swap3A_119 : vector<1x1x16xf32> to vector<16xf32>
        %swap3A_121 = vector.shape_cast %broadcast_in_dim3A_62 : vector<16xf32> to vector<1x1x16xf32>
        tpu.vector_store %arg8[%swap3A_116, %swap3A_117, %swap3A_118], %swap3A_121 {strides = array<i32>} : memref<2x128x128xf32, #tpu.memory_space<vmem>>, vector<1x1x16xf32>,
      }
      %scan3A_68 = arith.constant 1024 : i32
      %scan3A_69 = arith.constant 0 : i32
      %scan3A_70 = arith.constant 0 : i32
      %scan3A_71 = arith.constant 5 : i32
      %scan3A_72 = arith.addi %scan3A_70, %scan3A_71 : i32
      %scan3A_73 = arith.constant 1 : i32
      scf.for %scan3A_75 = %scan3A_70 to %scan3A_72 step %scan3A_73  : i32 {
        %mul3A_76 = arith.constant 640 : i32
        %mul3A_77 = arith.muli %arg1, %mul3A_76 : i32
        %mul3A_78 = arith.constant 128 : i32
        %mul3A_79 = arith.muli %scan3A_75, %mul3A_78 : i32
        %add3A_80 = arith.addi %mul3A_77, %mul3A_79 : i32
        %run_scoped3A = arith.constant 0 : i32
        "tpu.region"() ({
          %run_scoped3A_81 = tpu.sem_alloc : memref<!tpu.dma_semaphore, #tpu.memory_space<semaphore_mem>>
          %dma_start3A = arith.constant 0 : i32
          %dma_start3A_82 = arith.constant 0 : i32
          %dma_start3A_83 = tpu.memref_slice %arg8[%run_scoped3A, %dma_start3A, %dma_start3A_82] : memref<2x128x128xf32, #tpu.memory_space<vmem>> -> memref<1x128x128xf32, #tpu.memory_space<vmem>>
          %dma_start3A_84 = tpu.memref_squeeze %dma_start3A_83 : memref<1x128x128xf32, #tpu.memory_space<vmem>> -> memref<128x128xf32, #tpu.memory_space<vmem>>
          %dma_start3A_85 = arith.constant 0 : i32
          %dma_start3A_86 = tpu.memref_slice %arg9[%add3A_80, %dma_start3A_85] : memref<10240x128xf32, #tpu.memory_space<vmem_shared>> -> memref<128x128xf32, #tpu.memory_space<vmem_shared>>
          %dma_start3A_87 = arith.constant 0 : i32
          %dma_start3A_88 = tpu.memref_slice %arg9[%add3A_80, %dma_start3A_87] : memref<10240x128xf32, #tpu.memory_space<vmem_shared>> -> memref<128x128xf32, #tpu.memory_space<vmem_shared>>
          %dma_start3A_89 = arith.constant 0 : i32
          %dma_start3A_90 = arith.constant 0 : i32
          %dma_start3A_91 = tpu.memref_slice %arg8[%run_scoped3A, %dma_start3A_89, %dma_start3A_90] : memref<2x128x128xf32, #tpu.memory_space<vmem>> -> memref<1x128x128xf32, #tpu.memory_space<vmem>>
          %dma_start3A_92 = tpu.memref_squeeze %dma_start3A_91 : memref<1x128x128xf32, #tpu.memory_space<vmem>> -> memref<128x128xf32, #tpu.memory_space<vmem>>
          tpu.enqueue_dma source(%dma_start3A_92 : memref<128x128xf32, #tpu.memory_space<vmem>>) target(%dma_start3A_88 : memref<128x128xf32, #tpu.memory_space<vmem_shared>>) target_semaphore(%run_scoped3A_81 : memref<!tpu.dma_semaphore, #tpu.memory_space<semaphore_mem>>)
          %dma_wait3A_93 = arith.constant 0 : i32
          %dma_wait3A_94 = arith.constant 0 : i32
          %dma_wait3A_95 = tpu.memref_slice %arg8[%run_scoped3A, %dma_wait3A_93, %dma_wait3A_94] : memref<2x128x128xf32, #tpu.memory_space<vmem>> -> memref<1x128x128xf32, #tpu.memory_space<vmem>>
          %dma_wait3A_96 = tpu.memref_squeeze %dma_wait3A_95 : memref<1x128x128xf32, #tpu.memory_space<vmem>> -> memref<128x128xf32, #tpu.memory_space<vmem>>
          %dma_wait3A_97 = arith.constant 0 : i32
          %dma_wait3A_98 = tpu.memref_slice %arg9[%add3A_80, %dma_wait3A_97] : memref<10240x128xf32, #tpu.memory_space<vmem_shared>> -> memref<128x128xf32, #tpu.memory_space<vmem_shared>>
          %dma_wait3A_99 = arith.constant 0 : i32
          %dma_wait3A_100 = tpu.memref_slice %arg9[%add3A_80, %dma_wait3A_99] : memref<10240x128xf32, #tpu.memory_space<vmem_shared>> -> memref<128x128xf32, #tpu.memory_space<vmem_shared>>
          %dma_wait3A_101 = arith.constant 0 : i32
          %dma_wait3A_102 = arith.constant 0 : i32
          %dma_wait3A_103 = tpu.memref_slice %arg8[%run_scoped3A, %dma_wait3A_101, %dma_wait3A_102] : memref<2x128x128xf32, #tpu.memory_space<vmem>> -> memref<1x128x128xf32, #tpu.memory_space<vmem>>
          %dma_wait3A_104 = tpu.memref_squeeze %dma_wait3A_103 : memref<1x128x128xf32, #tpu.memory_space<vmem>> -> memref<128x128xf32, #tpu.memory_space<vmem>>
          tpu.wait_dma2 semaphore(%run_scoped3A_81 : memref<!tpu.dma_semaphore, #tpu.memory_space<semaphore_mem>>) src(%dma_wait3A_104 : memref<128x128xf32, #tpu.memory_space<vmem>>) dst(%dma_wait3A_100 : memref<128x128xf32, #tpu.memory_space<vmem_shared>>)
          tpu.yield
        }) : () -> ()
      }
      %scan3A_74 = arith.constant 5 : i32
    } else {
    }
    "tpu.region"() ({
      %run_scoped3A = tpu.sem_alloc : memref<!tpu.dma_semaphore, #tpu.memory_space<semaphore_mem>>
      %dma_start3A = arith.constant 0 : i32
      %dma_start3A_62 = tpu.memref_slice %arg2[%select_n3A_8, %dma_start3A] : memref<1344x128xi32, #tpu.memory_space<hbm>> -> memref<64x128xi32, #tpu.memory_space<hbm>>
      %dma_start3A_63 = arith.constant 0 : i32
      %dma_start3A_64 = tpu.memref_slice %arg2[%select_n3A_8, %dma_start3A_63] : memref<1344x128xi32, #tpu.memory_space<hbm>> -> memref<64x128xi32, #tpu.memory_space<hbm>>
      tpu.enqueue_dma source(%dma_start3A_64 : memref<64x128xi32, #tpu.memory_space<hbm>>) target(%arg6 : memref<64x128xi32, #tpu.memory_space<vmem>>) target_semaphore(%run_scoped3A : memref<!tpu.dma_semaphore, #tpu.memory_space<semaphore_mem>>)
      %dma_wait3A_65 = arith.constant 0 : i32
      %dma_wait3A_66 = tpu.memref_slice %arg2[%select_n3A_8, %dma_wait3A_65] : memref<1344x128xi32, #tpu.memory_space<hbm>> -> memref<64x128xi32, #tpu.memory_space<hbm>>
      %dma_wait3A_67 = arith.constant 0 : i32
      %dma_wait3A_68 = tpu.memref_slice %arg2[%select_n3A_8, %dma_wait3A_67] : memref<1344x128xi32, #tpu.memory_space<hbm>> -> memref<64x128xi32, #tpu.memory_space<hbm>>
      tpu.wait_dma2 semaphore(%run_scoped3A : memref<!tpu.dma_semaphore, #tpu.memory_space<semaphore_mem>>) src(%dma_wait3A_68 : memref<64x128xi32, #tpu.memory_space<hbm>>) dst(%arg6 : memref<64x128xi32, #tpu.memory_space<vmem>>)
      tpu.yield
    }) : () -> ()
    "tpu.region"() ({
      %run_scoped3A = tpu.sem_alloc : memref<!tpu.dma_semaphore, #tpu.memory_space<semaphore_mem>>
      %dma_start3A = arith.constant 0 : i32
      %dma_start3A_62 = tpu.memref_slice %arg3[%select_n3A_8, %dma_start3A] : memref<1344x128xi32, #tpu.memory_space<hbm>> -> memref<64x128xi32, #tpu.memory_space<hbm>>
      %dma_start3A_63 = arith.constant 0 : i32
      %dma_start3A_64 = tpu.memref_slice %arg3[%select_n3A_8, %dma_start3A_63] : memref<1344x128xi32, #tpu.memory_space<hbm>> -> memref<64x128xi32, #tpu.memory_space<hbm>>
      tpu.enqueue_dma source(%dma_start3A_64 : memref<64x128xi32, #tpu.memory_space<hbm>>) target(%arg7 : memref<64x128xi32, #tpu.memory_space<vmem>>) target_semaphore(%run_scoped3A : memref<!tpu.dma_semaphore, #tpu.memory_space<semaphore_mem>>)
      %dma_wait3A_65 = arith.constant 0 : i32
      %dma_wait3A_66 = tpu.memref_slice %arg3[%select_n3A_8, %dma_wait3A_65] : memref<1344x128xi32, #tpu.memory_space<hbm>> -> memref<64x128xi32, #tpu.memory_space<hbm>>
      %dma_wait3A_67 = arith.constant 0 : i32
      %dma_wait3A_68 = tpu.memref_slice %arg3[%select_n3A_8, %dma_wait3A_67] : memref<1344x128xi32, #tpu.memory_space<hbm>> -> memref<64x128xi32, #tpu.memory_space<hbm>>
      tpu.wait_dma2 semaphore(%run_scoped3A : memref<!tpu.dma_semaphore, #tpu.memory_space<semaphore_mem>>) src(%dma_wait3A_68 : memref<64x128xi32, #tpu.memory_space<hbm>>) dst(%arg7 : memref<64x128xi32, #tpu.memory_space<vmem>>)
      tpu.yield
    }) : () -> ()
    %barrier3A = arith.constant 0 : index
    tpu.barrier barrier_id(%barrier3A)
    %scan3A = arith.constant 0 : i32
    %scan3A_17 = arith.constant 0 : i32
    %scan3A_18 = arith.constant 2 : i32
    %scan3A_19 = arith.addi %scan3A_17, %scan3A_18 : i32
    %scan3A_20 = arith.constant 1 : i32
    scf.for %scan3A_62 = %scan3A_17 to %scan3A_19 step %scan3A_20  : i32 {
      %dma_start3A = arith.constant 0 : i32
      %dma_start3A_63 = arith.constant 0 : i32
      %dma_start3A_64 = tpu.memref_slice %arg8[%scan3A_62, %dma_start3A, %dma_start3A_63] : memref<2x128x128xf32, #tpu.memory_space<vmem>> -> memref<1x128x128xf32, #tpu.memory_space<vmem>>
      %dma_start3A_65 = tpu.memref_squeeze %dma_start3A_64 : memref<1x128x128xf32, #tpu.memory_space<vmem>> -> memref<128x128xf32, #tpu.memory_space<vmem>>
      %dma_start3A_66 = arith.constant 0 : i32
      %dma_start3A_67 = tpu.memref_slice %arg6[%scan3A_62, %dma_start3A_66] : memref<64x128xi32, #tpu.memory_space<vmem>> -> memref<1x128xi32, #tpu.memory_space<vmem>>
      %dma_start3A_68 = tpu.memref_squeeze %dma_start3A_67 : memref<1x128xi32, #tpu.memory_space<vmem>> -> memref<128xi32, #tpu.memory_space<vmem>>
      %dma_start3A_69 = arith.constant 0 : i32
      %dma_start3A_70 = arith.constant 0 : i32
      %dma_start3A_71 = tpu.memref_slice %arg4[%dma_start3A_69, %dma_start3A_70] : memref<10240x128xf32, #tpu.memory_space<hbm>> -> memref<10240x128xf32, #tpu.memory_space<hbm>>
      tpu.enqueue_indirect_dma source(%dma_start3A_71 : memref<10240x128xf32, #tpu.memory_space<hbm>>) target(%dma_start3A_65 : memref<128x128xf32, #tpu.memory_space<vmem>>) offsets(%dma_start3A_68 : memref<128xi32, #tpu.memory_space<vmem>>) semaphore(%arg10 : memref<!tpu.dma_semaphore, #tpu.memory_space<semaphore_mem>>)
    }
    %scan3A_21 = arith.constant 2 : i32
    %while3A = arith.constant 0 : i32
    %while3A_22 = arith.constant 0 : i32
    %while3A_23 = arith.subi %select_n3A, %while3A_22 : i32
    %while3A_24 = arith.addi %while3A_22, %while3A_23 : i32
    %while3A_25 = arith.constant 1 : i32
    %while3A_26 = arith.divsi %while3A_23, %while3A_25 : i32
    %while3A_27 = arith.muli %while3A_26, %while3A_25 : i32
    %while3A_28 = arith.addi %while3A_22, %while3A_27 : i32
    %while3A_29 = arith.constant 1 : i32
    scf.for %while3A_62 = %while3A_22 to %while3A_28 step %while3A_29  : i32 {
      %jit3A_63 = arith.constant 2 : i32
      %eq3A_64 = arith.constant 0 : i32
      %eq3A_65 = arith.cmpi eq, %jit3A_63, %eq3A_64 : i32
      %jit3A_66 = arith.constant 1 : i32
      %select_n3A_67 = arith.select %eq3A_65, %jit3A_66, %jit3A_63 : i32
      %rem3A_68 = arith.remsi %while3A_62, %select_n3A_67 : i32
      %ne3A_69 = arith.constant 0 : i32
      %ne3A_70 = arith.cmpi ne, %rem3A_68, %ne3A_69 : i32
      %lt3A_71 = arith.constant 0 : i32
      %lt3A_72 = arith.cmpi slt, %rem3A_68, %lt3A_71 : i32
      %lt3A_73 = arith.constant 0 : i32
      %lt3A_74 = arith.cmpi slt, %select_n3A_67, %lt3A_73 : i32
      %ne3A_75 = arith.xori %lt3A_72, %lt3A_74 : i1
      %and3A_76 = arith.andi %ne3A_75, %ne3A_70 : i1
      %add3A_77 = arith.addi %rem3A_68, %select_n3A_67 : i32
      %select_n3A_78 = arith.select %and3A_76, %add3A_77, %rem3A_68 : i32
      %dma_wait3A_79 = arith.constant 0 : i32
      %dma_wait3A_80 = arith.constant 0 : i32
      %dma_wait3A_81 = tpu.memref_slice %arg8[%select_n3A_78, %dma_wait3A_79, %dma_wait3A_80] : memref<2x128x128xf32, #tpu.memory_space<vmem>> -> memref<1x128x128xf32, #tpu.memory_space<vmem>>
      %dma_wait3A_82 = tpu.memref_squeeze %dma_wait3A_81 : memref<1x128x128xf32, #tpu.memory_space<vmem>> -> memref<128x128xf32, #tpu.memory_space<vmem>>
      %dma_wait3A_83 = arith.constant 0 : i32
      %dma_wait3A_84 = tpu.memref_slice %arg6[%while3A_62, %dma_wait3A_83] : memref<64x128xi32, #tpu.memory_space<vmem>> -> memref<1x128xi32, #tpu.memory_space<vmem>>
      %dma_wait3A_85 = tpu.memref_squeeze %dma_wait3A_84 : memref<1x128xi32, #tpu.memory_space<vmem>> -> memref<128xi32, #tpu.memory_space<vmem>>
      %dma_wait3A_86 = arith.constant 0 : i32
      %dma_wait3A_87 = arith.constant 0 : i32
      %dma_wait3A_88 = tpu.memref_slice %arg4[%dma_wait3A_86, %dma_wait3A_87] : memref<10240x128xf32, #tpu.memory_space<hbm>> -> memref<10240x128xf32, #tpu.memory_space<hbm>>
      tpu.wait_indirect_dma semaphore(%arg10 : memref<!tpu.dma_semaphore, #tpu.memory_space<semaphore_mem>>) src(%dma_wait3A_88 : memref<10240x128xf32, #tpu.memory_space<hbm>>) dst(%dma_wait3A_82 : memref<128x128xf32, #tpu.memory_space<vmem>>)
      %dma_start3A = arith.constant 0 : i32
      %dma_start3A_89 = arith.constant 0 : i32
      %dma_start3A_90 = tpu.memref_slice %arg8[%select_n3A_78, %dma_start3A, %dma_start3A_89] : memref<2x128x128xf32, #tpu.memory_space<vmem>> -> memref<1x128x128xf32, #tpu.memory_space<vmem>>
      %dma_start3A_91 = tpu.memref_squeeze %dma_start3A_90 : memref<1x128x128xf32, #tpu.memory_space<vmem>> -> memref<128x128xf32, #tpu.memory_space<vmem>>
      %dma_start3A_92 = arith.constant 0 : i32
      %dma_start3A_93 = tpu.memref_slice %arg7[%while3A_62, %dma_start3A_92] : memref<64x128xi32, #tpu.memory_space<vmem>> -> memref<1x128xi32, #tpu.memory_space<vmem>>
      %dma_start3A_94 = tpu.memref_squeeze %dma_start3A_93 : memref<1x128xi32, #tpu.memory_space<vmem>> -> memref<128xi32, #tpu.memory_space<vmem>>
      %dma_start3A_95 = arith.constant 0 : i32
      %dma_start3A_96 = arith.constant 0 : i32
      %dma_start3A_97 = tpu.memref_slice %arg9[%dma_start3A_95, %dma_start3A_96] : memref<10240x128xf32, #tpu.memory_space<vmem_shared>> -> memref<10240x128xf32, #tpu.memory_space<vmem_shared>>
      tpu.enqueue_indirect_dma source(%dma_start3A_91 : memref<128x128xf32, #tpu.memory_space<vmem>>) target(%dma_start3A_97 : memref<10240x128xf32, #tpu.memory_space<vmem_shared>>) offsets(%dma_start3A_94 : memref<128xi32, #tpu.memory_space<vmem>>) semaphore(%arg11 : memref<!tpu.dma_semaphore, #tpu.memory_space<semaphore_mem>>) {add = true}
      %ge3A = arith.constant 1 : i32
      %ge3A_98 = arith.cmpi sge, %while3A_62, %ge3A : i32
      %convert_element_type3A_99 = arith.extui %ge3A_98 : i1 to i32
      %cond3A_100 = arith.constant 0 : i32
      %cond3A_101 = arith.cmpi ne, %convert_element_type3A_99, %cond3A_100 : i32
      scf.if %cond3A_101 {
        %sub3A_102 = arith.constant 1 : i32
        %sub3A_103 = arith.subi %while3A_62, %sub3A_102 : i32
        %jit3A_104 = arith.constant 2 : i32
        %eq3A_105 = arith.constant 0 : i32
        %eq3A_106 = arith.cmpi eq, %jit3A_104, %eq3A_105 : i32
        %jit3A_107 = arith.constant 1 : i32
        %select_n3A_108 = arith.select %eq3A_106, %jit3A_107, %jit3A_104 : i32
        %rem3A_109 = arith.remsi %sub3A_103, %select_n3A_108 : i32
        %ne3A_110 = arith.constant 0 : i32
        %ne3A_111 = arith.cmpi ne, %rem3A_109, %ne3A_110 : i32
        %lt3A_112 = arith.constant 0 : i32
        %lt3A_113 = arith.cmpi slt, %rem3A_109, %lt3A_112 : i32
        %lt3A_114 = arith.constant 0 : i32
        %lt3A_115 = arith.cmpi slt, %select_n3A_108, %lt3A_114 : i32
        %ne3A_116 = arith.xori %lt3A_113, %lt3A_115 : i1
        %and3A_117 = arith.andi %ne3A_116, %ne3A_111 : i1
        %add3A_118 = arith.addi %rem3A_109, %select_n3A_108 : i32
        %select_n3A_119 = arith.select %and3A_117, %add3A_118, %rem3A_109 : i32
        %dma_wait3A_120 = arith.constant 0 : i32
        %dma_wait3A_121 = arith.constant 0 : i32
        %dma_wait3A_122 = tpu.memref_slice %arg8[%select_n3A_119, %dma_wait3A_120, %dma_wait3A_121] : memref<2x128x128xf32, #tpu.memory_space<vmem>> -> memref<1x128x128xf32, #tpu.memory_space<vmem>>
        %dma_wait3A_123 = tpu.memref_squeeze %dma_wait3A_122 : memref<1x128x128xf32, #tpu.memory_space<vmem>> -> memref<128x128xf32, #tpu.memory_space<vmem>>
        %dma_wait3A_124 = arith.constant 0 : i32
        %dma_wait3A_125 = tpu.memref_slice %arg7[%sub3A_103, %dma_wait3A_124] : memref<64x128xi32, #tpu.memory_space<vmem>> -> memref<1x128xi32, #tpu.memory_space<vmem>>
        %dma_wait3A_126 = tpu.memref_squeeze %dma_wait3A_125 : memref<1x128xi32, #tpu.memory_space<vmem>> -> memref<128xi32, #tpu.memory_space<vmem>>
        %dma_wait3A_127 = arith.constant 0 : i32
        %dma_wait3A_128 = arith.constant 0 : i32
        %dma_wait3A_129 = tpu.memref_slice %arg9[%dma_wait3A_127, %dma_wait3A_128] : memref<10240x128xf32, #tpu.memory_space<vmem_shared>> -> memref<10240x128xf32, #tpu.memory_space<vmem_shared>>
        tpu.wait_indirect_dma semaphore(%arg11 : memref<!tpu.dma_semaphore, #tpu.memory_space<semaphore_mem>>) src(%dma_wait3A_123 : memref<128x128xf32, #tpu.memory_space<vmem>>) dst(%dma_wait3A_129 : memref<10240x128xf32, #tpu.memory_space<vmem_shared>>)
        %add3A_130 = arith.constant 2 : i32
        %add3A_131 = arith.addi %sub3A_103, %add3A_130 : i32
        %lt3A_132 = arith.cmpi slt, %add3A_131, %select_n3A : i32
        %convert_element_type3A_133 = arith.extui %lt3A_132 : i1 to i32
        %cond3A_134 = arith.constant 0 : i32
        %cond3A_135 = arith.cmpi ne, %convert_element_type3A_133, %cond3A_134 : i32
        scf.if %cond3A_135 {
          %add3A_136 = arith.constant 2 : i32
          %add3A_137 = arith.addi %sub3A_103, %add3A_136 : i32
          %jit3A_138 = arith.constant 2 : i32
          %eq3A_139 = arith.constant 0 : i32
          %eq3A_140 = arith.cmpi eq, %jit3A_138, %eq3A_139 : i32
          %jit3A_141 = arith.constant 1 : i32
          %select_n3A_142 = arith.select %eq3A_140, %jit3A_141, %jit3A_138 : i32
          %rem3A_143 = arith.remsi %add3A_137, %select_n3A_142 : i32
          %ne3A_144 = arith.constant 0 : i32
          %ne3A_145 = arith.cmpi ne, %rem3A_143, %ne3A_144 : i32
          %lt3A_146 = arith.constant 0 : i32
          %lt3A_147 = arith.cmpi slt, %rem3A_143, %lt3A_146 : i32
          %lt3A_148 = arith.constant 0 : i32
          %lt3A_149 = arith.cmpi slt, %select_n3A_142, %lt3A_148 : i32
          %ne3A_150 = arith.xori %lt3A_147, %lt3A_149 : i1
          %and3A_151 = arith.andi %ne3A_150, %ne3A_145 : i1
          %add3A_152 = arith.addi %rem3A_143, %select_n3A_142 : i32
          %select_n3A_153 = arith.select %and3A_151, %add3A_152, %rem3A_143 : i32
          %dma_start3A_154 = arith.constant 0 : i32
          %dma_start3A_155 = arith.constant 0 : i32
          %dma_start3A_156 = tpu.memref_slice %arg8[%select_n3A_153, %dma_start3A_154, %dma_start3A_155] : memref<2x128x128xf32, #tpu.memory_space<vmem>> -> memref<1x128x128xf32, #tpu.memory_space<vmem>>
          %dma_start3A_157 = tpu.memref_squeeze %dma_start3A_156 : memref<1x128x128xf32, #tpu.memory_space<vmem>> -> memref<128x128xf32, #tpu.memory_space<vmem>>
          %dma_start3A_158 = arith.constant 0 : i32
          %dma_start3A_159 = tpu.memref_slice %arg6[%add3A_137, %dma_start3A_158] : memref<64x128xi32, #tpu.memory_space<vmem>> -> memref<1x128xi32, #tpu.memory_space<vmem>>
          %dma_start3A_160 = tpu.memref_squeeze %dma_start3A_159 : memref<1x128xi32, #tpu.memory_space<vmem>> -> memref<128xi32, #tpu.memory_space<vmem>>
          %dma_start3A_161 = arith.constant 0 : i32
          %dma_start3A_162 = arith.constant 0 : i32
          %dma_start3A_163 = tpu.memref_slice %arg4[%dma_start3A_161, %dma_start3A_162] : memref<10240x128xf32, #tpu.memory_space<hbm>> -> memref<10240x128xf32, #tpu.memory_space<hbm>>
          tpu.enqueue_indirect_dma source(%dma_start3A_163 : memref<10240x128xf32, #tpu.memory_space<hbm>>) target(%dma_start3A_157 : memref<128x128xf32, #tpu.memory_space<vmem>>) offsets(%dma_start3A_160 : memref<128xi32, #tpu.memory_space<vmem>>) semaphore(%arg10 : memref<!tpu.dma_semaphore, #tpu.memory_space<semaphore_mem>>)
        } else {
        }
      } else {
      }
    }
    %while3A_30 = arith.constant 1 : i32
    scf.for %while3A_62 = %while3A_28 to %while3A_24 step %while3A_30  : i32 {
      %jit3A_63 = arith.constant 2 : i32
      %eq3A_64 = arith.constant 0 : i32
      %eq3A_65 = arith.cmpi eq, %jit3A_63, %eq3A_64 : i32
      %jit3A_66 = arith.constant 1 : i32
      %select_n3A_67 = arith.select %eq3A_65, %jit3A_66, %jit3A_63 : i32
      %rem3A_68 = arith.remsi %while3A_62, %select_n3A_67 : i32
      %ne3A_69 = arith.constant 0 : i32
      %ne3A_70 = arith.cmpi ne, %rem3A_68, %ne3A_69 : i32
      %lt3A_71 = arith.constant 0 : i32
      %lt3A_72 = arith.cmpi slt, %rem3A_68, %lt3A_71 : i32
      %lt3A_73 = arith.constant 0 : i32
      %lt3A_74 = arith.cmpi slt, %select_n3A_67, %lt3A_73 : i32
      %ne3A_75 = arith.xori %lt3A_72, %lt3A_74 : i1
      %and3A_76 = arith.andi %ne3A_75, %ne3A_70 : i1
      %add3A_77 = arith.addi %rem3A_68, %select_n3A_67 : i32
      %select_n3A_78 = arith.select %and3A_76, %add3A_77, %rem3A_68 : i32
      %dma_wait3A_79 = arith.constant 0 : i32
      %dma_wait3A_80 = arith.constant 0 : i32
      %dma_wait3A_81 = tpu.memref_slice %arg8[%select_n3A_78, %dma_wait3A_79, %dma_wait3A_80] : memref<2x128x128xf32, #tpu.memory_space<vmem>> -> memref<1x128x128xf32, #tpu.memory_space<vmem>>
      %dma_wait3A_82 = tpu.memref_squeeze %dma_wait3A_81 : memref<1x128x128xf32, #tpu.memory_space<vmem>> -> memref<128x128xf32, #tpu.memory_space<vmem>>
      %dma_wait3A_83 = arith.constant 0 : i32
      %dma_wait3A_84 = tpu.memref_slice %arg6[%while3A_62, %dma_wait3A_83] : memref<64x128xi32, #tpu.memory_space<vmem>> -> memref<1x128xi32, #tpu.memory_space<vmem>>
      %dma_wait3A_85 = tpu.memref_squeeze %dma_wait3A_84 : memref<1x128xi32, #tpu.memory_space<vmem>> -> memref<128xi32, #tpu.memory_space<vmem>>
      %dma_wait3A_86 = arith.constant 0 : i32
      %dma_wait3A_87 = arith.constant 0 : i32
      %dma_wait3A_88 = tpu.memref_slice %arg4[%dma_wait3A_86, %dma_wait3A_87] : memref<10240x128xf32, #tpu.memory_space<hbm>> -> memref<10240x128xf32, #tpu.memory_space<hbm>>
      tpu.wait_indirect_dma semaphore(%arg10 : memref<!tpu.dma_semaphore, #tpu.memory_space<semaphore_mem>>) src(%dma_wait3A_88 : memref<10240x128xf32, #tpu.memory_space<hbm>>) dst(%dma_wait3A_82 : memref<128x128xf32, #tpu.memory_space<vmem>>)
      %dma_start3A = arith.constant 0 : i32
      %dma_start3A_89 = arith.constant 0 : i32
      %dma_start3A_90 = tpu.memref_slice %arg8[%select_n3A_78, %dma_start3A, %dma_start3A_89] : memref<2x128x128xf32, #tpu.memory_space<vmem>> -> memref<1x128x128xf32, #tpu.memory_space<vmem>>
      %dma_start3A_91 = tpu.memref_squeeze %dma_start3A_90 : memref<1x128x128xf32, #tpu.memory_space<vmem>> -> memref<128x128xf32, #tpu.memory_space<vmem>>
      %dma_start3A_92 = arith.constant 0 : i32
      %dma_start3A_93 = tpu.memref_slice %arg7[%while3A_62, %dma_start3A_92] : memref<64x128xi32, #tpu.memory_space<vmem>> -> memref<1x128xi32, #tpu.memory_space<vmem>>
      %dma_start3A_94 = tpu.memref_squeeze %dma_start3A_93 : memref<1x128xi32, #tpu.memory_space<vmem>> -> memref<128xi32, #tpu.memory_space<vmem>>
      %dma_start3A_95 = arith.constant 0 : i32
      %dma_start3A_96 = arith.constant 0 : i32
      %dma_start3A_97 = tpu.memref_slice %arg9[%dma_start3A_95, %dma_start3A_96] : memref<10240x128xf32, #tpu.memory_space<vmem_shared>> -> memref<10240x128xf32, #tpu.memory_space<vmem_shared>>
      tpu.enqueue_indirect_dma source(%dma_start3A_91 : memref<128x128xf32, #tpu.memory_space<vmem>>) target(%dma_start3A_97 : memref<10240x128xf32, #tpu.memory_space<vmem_shared>>) offsets(%dma_start3A_94 : memref<128xi32, #tpu.memory_space<vmem>>) semaphore(%arg11 : memref<!tpu.dma_semaphore, #tpu.memory_space<semaphore_mem>>) {add = true}
      %ge3A = arith.constant 1 : i32
      %ge3A_98 = arith.cmpi sge, %while3A_62, %ge3A : i32
      %convert_element_type3A_99 = arith.extui %ge3A_98 : i1 to i32
      %cond3A_100 = arith.constant 0 : i32
      %cond3A_101 = arith.cmpi ne, %convert_element_type3A_99, %cond3A_100 : i32
      scf.if %cond3A_101 {
        %sub3A_102 = arith.constant 1 : i32
        %sub3A_103 = arith.subi %while3A_62, %sub3A_102 : i32
        %jit3A_104 = arith.constant 2 : i32
        %eq3A_105 = arith.constant 0 : i32
        %eq3A_106 = arith.cmpi eq, %jit3A_104, %eq3A_105 : i32
        %jit3A_107 = arith.constant 1 : i32
        %select_n3A_108 = arith.select %eq3A_106, %jit3A_107, %jit3A_104 : i32
        %rem3A_109 = arith.remsi %sub3A_103, %select_n3A_108 : i32
        %ne3A_110 = arith.constant 0 : i32
        %ne3A_111 = arith.cmpi ne, %rem3A_109, %ne3A_110 : i32
        %lt3A_112 = arith.constant 0 : i32
        %lt3A_113 = arith.cmpi slt, %rem3A_109, %lt3A_112 : i32
        %lt3A_114 = arith.constant 0 : i32
        %lt3A_115 = arith.cmpi slt, %select_n3A_108, %lt3A_114 : i32
        %ne3A_116 = arith.xori %lt3A_113, %lt3A_115 : i1
        %and3A_117 = arith.andi %ne3A_116, %ne3A_111 : i1
        %add3A_118 = arith.addi %rem3A_109, %select_n3A_108 : i32
        %select_n3A_119 = arith.select %and3A_117, %add3A_118, %rem3A_109 : i32
        %dma_wait3A_120 = arith.constant 0 : i32
        %dma_wait3A_121 = arith.constant 0 : i32
        %dma_wait3A_122 = tpu.memref_slice %arg8[%select_n3A_119, %dma_wait3A_120, %dma_wait3A_121] : memref<2x128x128xf32, #tpu.memory_space<vmem>> -> memref<1x128x128xf32, #tpu.memory_space<vmem>>
        %dma_wait3A_123 = tpu.memref_squeeze %dma_wait3A_122 : memref<1x128x128xf32, #tpu.memory_space<vmem>> -> memref<128x128xf32, #tpu.memory_space<vmem>>
        %dma_wait3A_124 = arith.constant 0 : i32
        %dma_wait3A_125 = tpu.memref_slice %arg7[%sub3A_103, %dma_wait3A_124] : memref<64x128xi32, #tpu.memory_space<vmem>> -> memref<1x128xi32, #tpu.memory_space<vmem>>
        %dma_wait3A_126 = tpu.memref_squeeze %dma_wait3A_125 : memref<1x128xi32, #tpu.memory_space<vmem>> -> memref<128xi32, #tpu.memory_space<vmem>>
        %dma_wait3A_127 = arith.constant 0 : i32
        %dma_wait3A_128 = arith.constant 0 : i32
        %dma_wait3A_129 = tpu.memref_slice %arg9[%dma_wait3A_127, %dma_wait3A_128] : memref<10240x128xf32, #tpu.memory_space<vmem_shared>> -> memref<10240x128xf32, #tpu.memory_space<vmem_shared>>
        tpu.wait_indirect_dma semaphore(%arg11 : memref<!tpu.dma_semaphore, #tpu.memory_space<semaphore_mem>>) src(%dma_wait3A_123 : memref<128x128xf32, #tpu.memory_space<vmem>>) dst(%dma_wait3A_129 : memref<10240x128xf32, #tpu.memory_space<vmem_shared>>)
        %add3A_130 = arith.constant 2 : i32
        %add3A_131 = arith.addi %sub3A_103, %add3A_130 : i32
        %lt3A_132 = arith.cmpi slt, %add3A_131, %select_n3A : i32
        %convert_element_type3A_133 = arith.extui %lt3A_132 : i1 to i32
        %cond3A_134 = arith.constant 0 : i32
        %cond3A_135 = arith.cmpi ne, %convert_element_type3A_133, %cond3A_134 : i32
        scf.if %cond3A_135 {
          %add3A_136 = arith.constant 2 : i32
          %add3A_137 = arith.addi %sub3A_103, %add3A_136 : i32
          %jit3A_138 = arith.constant 2 : i32
          %eq3A_139 = arith.constant 0 : i32
          %eq3A_140 = arith.cmpi eq, %jit3A_138, %eq3A_139 : i32
          %jit3A_141 = arith.constant 1 : i32
          %select_n3A_142 = arith.select %eq3A_140, %jit3A_141, %jit3A_138 : i32
          %rem3A_143 = arith.remsi %add3A_137, %select_n3A_142 : i32
          %ne3A_144 = arith.constant 0 : i32
          %ne3A_145 = arith.cmpi ne, %rem3A_143, %ne3A_144 : i32
          %lt3A_146 = arith.constant 0 : i32
          %lt3A_147 = arith.cmpi slt, %rem3A_143, %lt3A_146 : i32
          %lt3A_148 = arith.constant 0 : i32
          %lt3A_149 = arith.cmpi slt, %select_n3A_142, %lt3A_148 : i32
          %ne3A_150 = arith.xori %lt3A_147, %lt3A_149 : i1
          %and3A_151 = arith.andi %ne3A_150, %ne3A_145 : i1
          %add3A_152 = arith.addi %rem3A_143, %select_n3A_142 : i32
          %select_n3A_153 = arith.select %and3A_151, %add3A_152, %rem3A_143 : i32
          %dma_start3A_154 = arith.constant 0 : i32
          %dma_start3A_155 = arith.constant 0 : i32
          %dma_start3A_156 = tpu.memref_slice %arg8[%select_n3A_153, %dma_start3A_154, %dma_start3A_155] : memref<2x128x128xf32, #tpu.memory_space<vmem>> -> memref<1x128x128xf32, #tpu.memory_space<vmem>>
          %dma_start3A_157 = tpu.memref_squeeze %dma_start3A_156 : memref<1x128x128xf32, #tpu.memory_space<vmem>> -> memref<128x128xf32, #tpu.memory_space<vmem>>
          %dma_start3A_158 = arith.constant 0 : i32
          %dma_start3A_159 = tpu.memref_slice %arg6[%add3A_137, %dma_start3A_158] : memref<64x128xi32, #tpu.memory_space<vmem>> -> memref<1x128xi32, #tpu.memory_space<vmem>>
          %dma_start3A_160 = tpu.memref_squeeze %dma_start3A_159 : memref<1x128xi32, #tpu.memory_space<vmem>> -> memref<128xi32, #tpu.memory_space<vmem>>
          %dma_start3A_161 = arith.constant 0 : i32
          %dma_start3A_162 = arith.constant 0 : i32
          %dma_start3A_163 = tpu.memref_slice %arg4[%dma_start3A_161, %dma_start3A_162] : memref<10240x128xf32, #tpu.memory_space<hbm>> -> memref<10240x128xf32, #tpu.memory_space<hbm>>
          tpu.enqueue_indirect_dma source(%dma_start3A_163 : memref<10240x128xf32, #tpu.memory_space<hbm>>) target(%dma_start3A_157 : memref<128x128xf32, #tpu.memory_space<vmem>>) offsets(%dma_start3A_160 : memref<128xi32, #tpu.memory_space<vmem>>) semaphore(%arg10 : memref<!tpu.dma_semaphore, #tpu.memory_space<semaphore_mem>>)
        } else {
        }
      } else {
      }
    }
    %scan3A_31 = arith.constant 0 : i32
    %scan3A_32 = arith.constant 0 : i32
    %sub3A = arith.constant 1 : i32
    %sub3A_33 = arith.subi %select_n3A, %sub3A : i32
    %add3A_34 = arith.addi %sub3A_33, %scan3A_32 : i32
    %jit3A_35 = arith.constant 2 : i32
    %eq3A_36 = arith.constant 0 : i32
    %eq3A_37 = arith.cmpi eq, %jit3A_35, %eq3A_36 : i32
    %jit3A_38 = arith.constant 1 : i32
    %select_n3A_39 = arith.select %eq3A_37, %jit3A_38, %jit3A_35 : i32
    %rem3A = arith.remsi %add3A_34, %select_n3A_39 : i32
    %ne3A = arith.constant 0 : i32
    %ne3A_40 = arith.cmpi ne, %rem3A, %ne3A : i32
    %lt3A = arith.constant 0 : i32
    %lt3A_41 = arith.cmpi slt, %rem3A, %lt3A : i32
    %lt3A_42 = arith.constant 0 : i32
    %lt3A_43 = arith.cmpi slt, %select_n3A_39, %lt3A_42 : i32
    %ne3A_44 = arith.xori %lt3A_41, %lt3A_43 : i1
    %and3A = arith.andi %ne3A_44, %ne3A_40 : i1
    %add3A_45 = arith.addi %rem3A, %select_n3A_39 : i32
    %select_n3A_46 = arith.select %and3A, %add3A_45, %rem3A : i32
    %dma_wait3A = arith.constant 0 : i32
    %dma_wait3A_47 = arith.constant 0 : i32
    %dma_wait3A_48 = tpu.memref_slice %arg8[%select_n3A_46, %dma_wait3A, %dma_wait3A_47] : memref<2x128x128xf32, #tpu.memory_space<vmem>> -> memref<1x128x128xf32, #tpu.memory_space<vmem>>
    %dma_wait3A_49 = tpu.memref_squeeze %dma_wait3A_48 : memref<1x128x128xf32, #tpu.memory_space<vmem>> -> memref<128x128xf32, #tpu.memory_space<vmem>>
    %dma_wait3A_50 = arith.constant 0 : i32
    %dma_wait3A_51 = tpu.memref_slice %arg7[%add3A_34, %dma_wait3A_50] : memref<64x128xi32, #tpu.memory_space<vmem>> -> memref<1x128xi32, #tpu.memory_space<vmem>>
    %dma_wait3A_52 = tpu.memref_squeeze %dma_wait3A_51 : memref<1x128xi32, #tpu.memory_space<vmem>> -> memref<128xi32, #tpu.memory_space<vmem>>
    %dma_wait3A_53 = arith.constant 0 : i32
    %dma_wait3A_54 = arith.constant 0 : i32
    %dma_wait3A_55 = tpu.memref_slice %arg9[%dma_wait3A_53, %dma_wait3A_54] : memref<10240x128xf32, #tpu.memory_space<vmem_shared>> -> memref<10240x128xf32, #tpu.memory_space<vmem_shared>>
    tpu.wait_indirect_dma semaphore(%arg11 : memref<!tpu.dma_semaphore, #tpu.memory_space<semaphore_mem>>) src(%dma_wait3A_49 : memref<128x128xf32, #tpu.memory_space<vmem>>) dst(%dma_wait3A_55 : memref<10240x128xf32, #tpu.memory_space<vmem_shared>>)
    %scan3A_56 = arith.constant 1 : i32
    %barrier3A_57 = arith.constant 0 : index
    tpu.barrier barrier_id(%barrier3A_57)
    %mul3A_58 = arith.constant 640 : i32
    %mul3A_59 = arith.muli %arg1, %mul3A_58 : i32
    %mul3A_60 = arith.constant 640 : i32
    %mul3A_61 = arith.muli %arg1, %mul3A_60 : i32
    "tpu.region"() ({
      %run_scoped3A = tpu.sem_alloc : memref<!tpu.dma_semaphore, #tpu.memory_space<semaphore_mem>>
      %dma_start3A = arith.constant 0 : i32
      %dma_start3A_62 = arith.constant 0 : i32
      %dma_start3A_63 = tpu.memref_slice %arg5[%arg0, %dma_start3A, %dma_start3A_62] : memref<2x10240x128xf32, #tpu.memory_space<hbm>> -> memref<1x10240x128xf32, #tpu.memory_space<hbm>>
      %dma_start3A_64 = tpu.memref_squeeze %dma_start3A_63 : memref<1x10240x128xf32, #tpu.memory_space<hbm>> -> memref<10240x128xf32, #tpu.memory_space<hbm>>
      %dma_start3A_65 = arith.constant 0 : i32
      %dma_start3A_66 = tpu.memref_slice %dma_start3A_64[%mul3A_61, %dma_start3A_65] : memref<10240x128xf32, #tpu.memory_space<hbm>> -> memref<640x128xf32, #tpu.memory_space<hbm>>
      %dma_start3A_67 = arith.constant 0 : i32
      %dma_start3A_68 = tpu.memref_slice %arg9[%mul3A_59, %dma_start3A_67] : memref<10240x128xf32, #tpu.memory_space<vmem_shared>> -> memref<640x128xf32, #tpu.memory_space<vmem_shared>>
      tpu.enqueue_dma source(%dma_start3A_68 : memref<640x128xf32, #tpu.memory_space<vmem_shared>>) target(%dma_start3A_66 : memref<640x128xf32, #tpu.memory_space<hbm>>) target_semaphore(%run_scoped3A : memref<!tpu.dma_semaphore, #tpu.memory_space<semaphore_mem>>)
      %dma_wait3A_69 = arith.constant 0 : i32
      %dma_wait3A_70 = arith.constant 0 : i32
      %dma_wait3A_71 = tpu.memref_slice %arg5[%arg0, %dma_wait3A_69, %dma_wait3A_70] : memref<2x10240x128xf32, #tpu.memory_space<hbm>> -> memref<1x10240x128xf32, #tpu.memory_space<hbm>>
      %dma_wait3A_72 = tpu.memref_squeeze %dma_wait3A_71 : memref<1x10240x128xf32, #tpu.memory_space<hbm>> -> memref<10240x128xf32, #tpu.memory_space<hbm>>
      %dma_wait3A_73 = arith.constant 0 : i32
      %dma_wait3A_74 = tpu.memref_slice %dma_wait3A_72[%mul3A_61, %dma_wait3A_73] : memref<10240x128xf32, #tpu.memory_space<hbm>> -> memref<640x128xf32, #tpu.memory_space<hbm>>
      %dma_wait3A_75 = arith.constant 0 : i32
      %dma_wait3A_76 = tpu.memref_slice %arg9[%mul3A_59, %dma_wait3A_75] : memref<10240x128xf32, #tpu.memory_space<vmem_shared>> -> memref<640x128xf32, #tpu.memory_space<vmem_shared>>
      tpu.wait_dma2 semaphore(%run_scoped3A : memref<!tpu.dma_semaphore, #tpu.memory_space<semaphore_mem>>) src(%dma_wait3A_76 : memref<640x128xf32, #tpu.memory_space<vmem_shared>>) dst(%dma_wait3A_74 : memref<640x128xf32, #tpu.memory_space<hbm>>)
      tpu.yield
    }) : () -> ()
    return
  }
}

module attributes {stable_mosaic.version = 14 : i64} {
  func.func @_epad_body(%arg0: memref<1250x128xi32, #tpu.memory_space<vmem>>, %arg1: memref<1250x128xi32, #tpu.memory_space<vmem>>, %arg2: memref<1344x128xi32, #tpu.memory_space<vmem>>, %arg3: memref<1344x128xi32, #tpu.memory_space<vmem>>) attributes {dimension_semantics = [], scalar_prefetch = 0 : i64, scratch_operands = 0 : i64, tpu.core_type = #tpu.core_type<tc>} {
    %broadcast_in_dim3A = arith.constant 10000 : i32
    %broadcast_in_dim3A_0 = vector.broadcast %broadcast_in_dim3A : i32 to vector<94x128xi32>
    %get3A = arith.constant 0 : index
    %get3A_1 = arith.constant 0 : index
    %get3A_2 = vector.load %arg0[%get3A, %get3A_1] : memref<1250x128xi32, #tpu.memory_space<vmem>>, vector<1250x128xi32>
    %concatenate3A = tpu.concatenate %get3A_2, %broadcast_in_dim3A_0 in 0 : vector<1250x128xi32>, vector<94x128xi32> -> vector<1344x128xi32>
    %swap3A = arith.constant 0 : index
    %swap3A_3 = arith.constant 0 : index
    %swap3A_4 = vector.load %arg2[%swap3A, %swap3A_3] : memref<1344x128xi32, #tpu.memory_space<vmem>>, vector<1344x128xi32>
    tpu.vector_store %arg2[%swap3A, %swap3A_3], %concatenate3A {strides = array<i32>} : memref<1344x128xi32, #tpu.memory_space<vmem>>, vector<1344x128xi32>,
    %get3A_5 = arith.constant 0 : index
    %get3A_6 = arith.constant 0 : index
    %get3A_7 = vector.load %arg1[%get3A_5, %get3A_6] : memref<1250x128xi32, #tpu.memory_space<vmem>>, vector<1250x128xi32>
    %concatenate3A_8 = tpu.concatenate %get3A_7, %broadcast_in_dim3A_0 in 0 : vector<1250x128xi32>, vector<94x128xi32> -> vector<1344x128xi32>
    %swap3A_9 = arith.constant 0 : index
    %swap3A_10 = arith.constant 0 : index
    %swap3A_11 = vector.load %arg3[%swap3A_9, %swap3A_10] : memref<1344x128xi32, #tpu.memory_space<vmem>>, vector<1344x128xi32>
    tpu.vector_store %arg3[%swap3A_9, %swap3A_10], %concatenate3A_8 {strides = array<i32>} : memref<1344x128xi32, #tpu.memory_space<vmem>>, vector<1344x128xi32>,
    return
  }
}

module attributes {stable_mosaic.version = 14 : i64} {
  func.func @_mmraw_body(%arg0: i32, %arg1: memref<640x300xf32, #tpu.memory_space<vmem>>, %arg2: memref<300x128xf32, #tpu.memory_space<vmem>>, %arg3: memref<640x128xf32, #tpu.memory_space<vmem>>) attributes {dimension_semantics = [#tpu.dimension_semantics<arbitrary>], iteration_bounds = array<i64: 16>, scalar_prefetch = 0 : i64, scratch_operands = 0 : i64, tpu.core_type = #tpu.core_type<tc>, window_params = [{transform_indices = @transform_0, window_bounds = array<i64: 640, 300>}, {pipeline_mode = #tpu.pipeline_mode<synchronous>, transform_indices = @transform_1, window_bounds = array<i64: 300, 128>}, {transform_indices = @transform_2, window_bounds = array<i64: 640, 128>}]} {
    %get3A = arith.constant 0 : index
    %get3A_0 = arith.constant 0 : index
    %get3A_1 = vector.load %arg1[%get3A, %get3A_0] : memref<640x300xf32, #tpu.memory_space<vmem>>, vector<640x300xf32>
    %get3A_2 = arith.constant 0 : index
    %get3A_3 = arith.constant 0 : index
    %get3A_4 = vector.load %arg2[%get3A_2, %get3A_3] : memref<300x128xf32, #tpu.memory_space<vmem>>, vector<300x128xf32>
    %dot_general3A = arith.constant dense<0.000000e+00> : vector<640x128xf32>
    %dot_general3A_5 = tpu.matmul %get3A_1, %get3A_4, %dot_general3A {dimension_numbers = #tpu.dot_dimension_numbers<[1], [0], [0], [1], [0, 0, 1, 1], [], []>, transpose_lhs_hint = false} : vector<640x300xf32>, vector<300x128xf32>, vector<640x128xf32> -> vector<640x128xf32>
    %swap3A = arith.constant 0 : index
    %swap3A_6 = arith.constant 0 : index
    %swap3A_7 = vector.load %arg3[%swap3A, %swap3A_6] : memref<640x128xf32, #tpu.memory_space<vmem>>, vector<640x128xf32>
    tpu.vector_store %arg3[%swap3A, %swap3A_6], %dot_general3A_5 {strides = array<i32>} : memref<640x128xf32, #tpu.memory_space<vmem>>, vector<640x128xf32>,
    return
  }
  func.func @transform_0(%arg0: i32) -> (i32, i32) {
    %c0_i32 = arith.constant 0 : i32
    %c0_i32_0 = arith.constant 0 : i32
    return %arg0, %c0_i32 : i32, i32
  }
  func.func @transform_1(%arg0: i32) -> (i32, i32) {
    %c0_i32 = arith.constant 0 : i32
    %c0_i32_0 = arith.constant 0 : i32
    %c0_i32_1 = arith.constant 0 : i32
    return %c0_i32, %c0_i32_0 : i32, i32
  }
  func.func @transform_2(%arg0: i32) -> (i32, i32) {
    %c0_i32 = arith.constant 0 : i32
    %c0_i32_0 = arith.constant 0 : i32
    return %arg0, %c0_i32 : i32, i32
  }
}

module attributes {stable_mosaic.version = 14 : i64} {
  func.func @_scale_body(%arg0: i32, %arg1: memref<640x128xf32, #tpu.memory_space<vmem>>, %arg2: memref<640x128xf32, #tpu.memory_space<vmem>>, %arg3: memref<640x128xf32, #tpu.memory_space<vmem>>, %arg4: memref<640x128xf32, #tpu.memory_space<vmem>>, %arg5: memref<640x1xf32, #tpu.memory_space<vmem>>) attributes {dimension_semantics = [#tpu.dimension_semantics<arbitrary>], iteration_bounds = array<i64: 16>, scalar_prefetch = 0 : i64, scratch_operands = 0 : i64, tpu.core_type = #tpu.core_type<tc>, window_params = [{transform_indices = @transform_0, window_bounds = array<i64: 640, 128>}, {transform_indices = @transform_1, window_bounds = array<i64: 640, 128>}, {transform_indices = @transform_2, window_bounds = array<i64: 640, 128>}, {transform_indices = @transform_3, window_bounds = array<i64: 640, 128>}, {transform_indices = @transform_4, window_bounds = array<i64: 640, 1>}]} {
    %get3A = arith.constant 0 : index
    %get3A_0 = arith.constant 0 : index
    %get3A_1 = vector.load %arg1[%get3A, %get3A_0] : memref<640x128xf32, #tpu.memory_space<vmem>>, vector<640x128xf32>
    %get3A_2 = arith.constant 0 : index
    %get3A_3 = arith.constant 0 : index
    %get3A_4 = vector.load %arg2[%get3A_2, %get3A_3] : memref<640x128xf32, #tpu.memory_space<vmem>>, vector<640x128xf32>
    %add3A = arith.addf %get3A_1, %get3A_4 : vector<640x128xf32>
    %slice3A = vector.extract_strided_slice %add3A {offsets = [0, 0], sizes = [640, 1], strides = [1, 1]} : vector<640x128xf32> to vector<640x1xf32>
    %add3A_5 = arith.constant 1.000000e+00 : f32
    %add3A_6 = vector.broadcast %add3A_5 : f32 to vector<640x1xf32>
    %add3A_7 = arith.addf %slice3A, %add3A_6 : vector<640x1xf32>
    %rsqrt3A = math.rsqrt %add3A_7 : vector<640x1xf32>
    %get3A_8 = arith.constant 0 : index
    %get3A_9 = arith.constant 0 : index
    %get3A_10 = vector.load %arg3[%get3A_8, %get3A_9] : memref<640x128xf32, #tpu.memory_space<vmem>>, vector<640x128xf32>
    %mul3A = vector.broadcast %rsqrt3A : vector<640x1xf32> to vector<640x128xf32>
    %mul3A_11 = arith.mulf %mul3A, %get3A_10 : vector<640x128xf32>
    %swap3A = arith.constant 0 : index
    %swap3A_12 = arith.constant 0 : index
    %swap3A_13 = vector.load %arg4[%swap3A, %swap3A_12] : memref<640x128xf32, #tpu.memory_space<vmem>>, vector<640x128xf32>
    tpu.vector_store %arg4[%swap3A, %swap3A_12], %mul3A_11 {strides = array<i32>} : memref<640x128xf32, #tpu.memory_space<vmem>>, vector<640x128xf32>,
    %swap3A_14 = arith.constant 0 : index
    %swap3A_15 = arith.constant 0 : index
    %swap3A_16 = vector.load %arg5[%swap3A_14, %swap3A_15] : memref<640x1xf32, #tpu.memory_space<vmem>>, vector<640x1xf32>
    tpu.vector_store %arg5[%swap3A_14, %swap3A_15], %rsqrt3A {strides = array<i32>} : memref<640x1xf32, #tpu.memory_space<vmem>>, vector<640x1xf32>,
    return
  }
  func.func @transform_0(%arg0: i32) -> (i32, i32) {
    %c0_i32 = arith.constant 0 : i32
    %c0_i32_0 = arith.constant 0 : i32
    return %arg0, %c0_i32 : i32, i32
  }
  func.func @transform_1(%arg0: i32) -> (i32, i32) {
    %c0_i32 = arith.constant 0 : i32
    %c0_i32_0 = arith.constant 0 : i32
    return %arg0, %c0_i32 : i32, i32
  }
  func.func @transform_2(%arg0: i32) -> (i32, i32) {
    %c0_i32 = arith.constant 0 : i32
    %c0_i32_0 = arith.constant 0 : i32
    return %arg0, %c0_i32 : i32, i32
  }
  func.func @transform_3(%arg0: i32) -> (i32, i32) {
    %c0_i32 = arith.constant 0 : i32
    %c0_i32_0 = arith.constant 0 : i32
    return %arg0, %c0_i32 : i32, i32
  }
  func.func @transform_4(%arg0: i32) -> (i32, i32) {
    %c0_i32 = arith.constant 0 : i32
    %c0_i32_0 = arith.constant 0 : i32
    return %arg0, %c0_i32 : i32, i32
  }
}

module attributes {stable_mosaic.version = 14 : i64} {
  func.func @_mm2_body(%arg0: i32, %arg1: memref<640x128xf32, #tpu.memory_space<vmem>>, %arg2: memref<640x128xf32, #tpu.memory_space<vmem>>, %arg3: memref<640x1xf32, #tpu.memory_space<vmem>>, %arg4: memref<1x128xf32, #tpu.memory_space<vmem>>, %arg5: memref<128x128xf32, #tpu.memory_space<vmem>>, %arg6: memref<640x128xf32, #tpu.memory_space<vmem>>) attributes {dimension_semantics = [#tpu.dimension_semantics<arbitrary>], iteration_bounds = array<i64: 16>, scalar_prefetch = 0 : i64, scratch_operands = 0 : i64, tpu.core_type = #tpu.core_type<tc>, window_params = [{transform_indices = @transform_0, window_bounds = array<i64: 640, 128>}, {transform_indices = @transform_1, window_bounds = array<i64: 640, 128>}, {transform_indices = @transform_2, window_bounds = array<i64: 640, 1>}, {pipeline_mode = #tpu.pipeline_mode<synchronous>, transform_indices = @transform_3, window_bounds = array<i64: 1, 128>}, {pipeline_mode = #tpu.pipeline_mode<synchronous>, transform_indices = @transform_4, window_bounds = array<i64: 128, 128>}, {transform_indices = @transform_5, window_bounds = array<i64: 640, 128>}]} {
    %get3A = arith.constant 0 : index
    %get3A_0 = arith.constant 0 : index
    %get3A_1 = vector.load %arg3[%get3A, %get3A_0] : memref<640x1xf32, #tpu.memory_space<vmem>>, vector<640x1xf32>
    %get3A_2 = arith.constant 0 : index
    %get3A_3 = arith.constant 0 : index
    %get3A_4 = vector.load %arg1[%get3A_2, %get3A_3] : memref<640x128xf32, #tpu.memory_space<vmem>>, vector<640x128xf32>
    %get3A_5 = arith.constant 0 : index
    %get3A_6 = arith.constant 0 : index
    %get3A_7 = vector.load %arg2[%get3A_5, %get3A_6] : memref<640x128xf32, #tpu.memory_space<vmem>>, vector<640x128xf32>
    %add3A = arith.addf %get3A_4, %get3A_7 : vector<640x128xf32>
    %mul3A = vector.broadcast %get3A_1 : vector<640x1xf32> to vector<640x128xf32>
    %mul3A_8 = arith.mulf %mul3A, %add3A : vector<640x128xf32>
    %get3A_9 = arith.constant 0 : index
    %get3A_10 = arith.constant 0 : index
    %get3A_11 = vector.load %arg4[%get3A_9, %get3A_10] : memref<1x128xf32, #tpu.memory_space<vmem>>, vector<1x128xf32>
    %add3A_12 = vector.broadcast %get3A_11 : vector<1x128xf32> to vector<640x128xf32>
    %add3A_13 = arith.addf %mul3A_8, %add3A_12 : vector<640x128xf32>
    %max3A = arith.constant 0.000000e+00 : f32
    %max3A_14 = vector.broadcast %max3A : f32 to vector<640x128xf32>
    %max3A_15 = arith.maximumf %add3A_13, %max3A_14 : vector<640x128xf32>
    %get3A_16 = arith.constant 0 : index
    %get3A_17 = arith.constant 0 : index
    %get3A_18 = vector.load %arg5[%get3A_16, %get3A_17] : memref<128x128xf32, #tpu.memory_space<vmem>>, vector<128x128xf32>
    %dot_general3A = arith.constant dense<0.000000e+00> : vector<640x128xf32>
    %dot_general3A_19 = tpu.matmul %max3A_15, %get3A_18, %dot_general3A {dimension_numbers = #tpu.dot_dimension_numbers<[1], [0], [0], [1], [0, 0, 1, 1], [], []>, transpose_lhs_hint = false} : vector<640x128xf32>, vector<128x128xf32>, vector<640x128xf32> -> vector<640x128xf32>
    %mul3A_20 = vector.broadcast %get3A_1 : vector<640x1xf32> to vector<640x128xf32>
    %mul3A_21 = arith.mulf %mul3A_20, %dot_general3A_19 : vector<640x128xf32>
    %swap3A = arith.constant 0 : index
    %swap3A_22 = arith.constant 0 : index
    %swap3A_23 = vector.load %arg6[%swap3A, %swap3A_22] : memref<640x128xf32, #tpu.memory_space<vmem>>, vector<640x128xf32>
    tpu.vector_store %arg6[%swap3A, %swap3A_22], %mul3A_21 {strides = array<i32>} : memref<640x128xf32, #tpu.memory_space<vmem>>, vector<640x128xf32>,
    return
  }
  func.func @transform_0(%arg0: i32) -> (i32, i32) {
    %c0_i32 = arith.constant 0 : i32
    %c0_i32_0 = arith.constant 0 : i32
    return %arg0, %c0_i32 : i32, i32
  }
  func.func @transform_1(%arg0: i32) -> (i32, i32) {
    %c0_i32 = arith.constant 0 : i32
    %c0_i32_0 = arith.constant 0 : i32
    return %arg0, %c0_i32 : i32, i32
  }
  func.func @transform_2(%arg0: i32) -> (i32, i32) {
    %c0_i32 = arith.constant 0 : i32
    %c0_i32_0 = arith.constant 0 : i32
    return %arg0, %c0_i32 : i32, i32
  }
  func.func @transform_3(%arg0: i32) -> (i32, i32) {
    %c0_i32 = arith.constant 0 : i32
    %c0_i32_0 = arith.constant 0 : i32
    %c0_i32_1 = arith.constant 0 : i32
    return %c0_i32, %c0_i32_0 : i32, i32
  }
  func.func @transform_4(%arg0: i32) -> (i32, i32) {
    %c0_i32 = arith.constant 0 : i32
    %c0_i32_0 = arith.constant 0 : i32
    %c0_i32_1 = arith.constant 0 : i32
    return %c0_i32, %c0_i32_0 : i32, i32
  }
  func.func @transform_5(%arg0: i32) -> (i32, i32) {
    %c0_i32 = arith.constant 0 : i32
    %c0_i32_0 = arith.constant 0 : i32
    return %arg0, %c0_i32 : i32, i32
  }
}

module attributes {stable_mosaic.version = 14 : i64} {
  func.func @_fin_body(%arg0: i32, %arg1: memref<640x128xf32, #tpu.memory_space<vmem>>, %arg2: memref<640x128xf32, #tpu.memory_space<vmem>>, %arg3: memref<640x1xf32, #tpu.memory_space<vmem>>, %arg4: memref<1x64xf32, #tpu.memory_space<vmem>>, %arg5: memref<640x64xf32, #tpu.memory_space<vmem>>) attributes {dimension_semantics = [#tpu.dimension_semantics<arbitrary>], iteration_bounds = array<i64: 16>, scalar_prefetch = 0 : i64, scratch_operands = 0 : i64, tpu.core_type = #tpu.core_type<tc>, window_params = [{transform_indices = @transform_0, window_bounds = array<i64: 640, 128>}, {transform_indices = @transform_1, window_bounds = array<i64: 640, 128>}, {transform_indices = @transform_2, window_bounds = array<i64: 640, 1>}, {pipeline_mode = #tpu.pipeline_mode<synchronous>, transform_indices = @transform_3, window_bounds = array<i64: 1, 64>}, {transform_indices = @transform_4, window_bounds = array<i64: 640, 64>}]} {
    %get3A = arith.constant 0 : index
    %get3A_0 = arith.constant 0 : index
    %get3A_1 = vector.load %arg1[%get3A, %get3A_0] : memref<640x128xf32, #tpu.memory_space<vmem>>, vector<640x128xf32>
    %get3A_2 = arith.constant 0 : index
    %get3A_3 = arith.constant 0 : index
    %get3A_4 = vector.load %arg2[%get3A_2, %get3A_3] : memref<640x128xf32, #tpu.memory_space<vmem>>, vector<640x128xf32>
    %add3A = arith.addf %get3A_1, %get3A_4 : vector<640x128xf32>
    %slice3A = vector.extract_strided_slice %add3A {offsets = [0, 0], sizes = [640, 64], strides = [1, 1]} : vector<640x128xf32> to vector<640x64xf32>
    %get3A_5 = arith.constant 0 : index
    %get3A_6 = arith.constant 0 : index
    %get3A_7 = vector.load %arg3[%get3A_5, %get3A_6] : memref<640x1xf32, #tpu.memory_space<vmem>>, vector<640x1xf32>
    %mul3A = vector.broadcast %get3A_7 : vector<640x1xf32> to vector<640x64xf32>
    %mul3A_8 = arith.mulf %mul3A, %slice3A : vector<640x64xf32>
    %get3A_9 = arith.constant 0 : index
    %get3A_10 = arith.constant 0 : index
    %get3A_11 = vector.load %arg4[%get3A_9, %get3A_10] : memref<1x64xf32, #tpu.memory_space<vmem>>, vector<1x64xf32>
    %add3A_12 = vector.broadcast %get3A_11 : vector<1x64xf32> to vector<640x64xf32>
    %add3A_13 = arith.addf %mul3A_8, %add3A_12 : vector<640x64xf32>
    %swap3A = arith.constant 0 : index
    %swap3A_14 = arith.constant 0 : index
    %swap3A_15 = vector.load %arg5[%swap3A, %swap3A_14] : memref<640x64xf32, #tpu.memory_space<vmem>>, vector<640x64xf32>
    tpu.vector_store %arg5[%swap3A, %swap3A_14], %add3A_13 {strides = array<i32>} : memref<640x64xf32, #tpu.memory_space<vmem>>, vector<640x64xf32>,
    return
  }
  func.func @transform_0(%arg0: i32) -> (i32, i32) {
    %c0_i32 = arith.constant 0 : i32
    %c0_i32_0 = arith.constant 0 : i32
    return %arg0, %c0_i32 : i32, i32
  }
  func.func @transform_1(%arg0: i32) -> (i32, i32) {
    %c0_i32 = arith.constant 0 : i32
    %c0_i32_0 = arith.constant 0 : i32
    return %arg0, %c0_i32 : i32, i32
  }
  func.func @transform_2(%arg0: i32) -> (i32, i32) {
    %c0_i32 = arith.constant 0 : i32
    %c0_i32_0 = arith.constant 0 : i32
    return %arg0, %c0_i32 : i32, i32
  }
  func.func @transform_3(%arg0: i32) -> (i32, i32) {
    %c0_i32 = arith.constant 0 : i32
    %c0_i32_0 = arith.constant 0 : i32
    %c0_i32_1 = arith.constant 0 : i32
    return %c0_i32, %c0_i32_0 : i32, i32
  }
  func.func @transform_4(%arg0: i32) -> (i32, i32) {
    %c0_i32 = arith.constant 0 : i32
    %c0_i32_0 = arith.constant 0 : i32
    return %arg0, %c0_i32 : i32, i32
  }
}

</mosaic_0001>

<sc_bundles>
// kernel: _run.10.cloned.1.call-start
scs
__scs_entry_jumppad:
0x0: {  	(pc) =	sbr.rel $0x88, $3  }
0x1: {  	(tag) =	ssettag $0x0;
	lr =	simm.s32 $0x1  }
0x2: {  	[smem:$0x3F9B] =	sst lr;
	_ =	strace $0xD0000000  }
0x3: {  	_ = 	snop  }
0x4: {  	_ = 	snop  }
0x5: {  	_ = 	snop  }
0x6: {  	_ = 	snop  }
0x7: {  	_ = 	snop  }
__scs_overlays_trampoline_lowered:
0x8: {  	[smem:$0x3FAA] =	sst s0  }
0x9: {  	[smem:$0x3FAB] =	sst s1  }
0xa: {  	[smem:$0x3FAC] =	sst s2  }
0xb: {  	[smem:$0x3FAD] =	sst s3  }
0xc: {  	[smem:$0x3FAE] =	sst s4  }
0xd: {  	[smem:$0x3FAF] =	sst s5  }
0xe: {  	[smem:$0x3FB0] =	sst s6  }
0xf: {  	[smem:$0x3FB1] =	sst s7  }
0x10: {  	[smem:$0x3FB2] =	sst s8  }
0x11: {  	[smem:$0x3FB3] =	sst s9;
	s0 =	simm.s32 @!p0 $0x0  }
0x12: {  	s1 =	sld [smem:$0x3F99];
	s0 =	simm.s32 @p0 $0x1  }
0x13: {  	[smem:$0x3FB4] =	sst s0;
	s0 =	simm.s32 @!p1 $0x0  }
0x14: {  	s2 =	sld [smem:$0x3F98];
	s0 =	simm.s32 @p1 $0x1  }
0x15: {  	[smem:$0x3FB5] =	sst s0;
	s0 =	simm.s32 @!p2 $0x0  }
0x16: {  	s3 =	sld [smem:$0x3FDB];
	s0 =	simm.s32 @p2 $0x1  }
0x17: {  	s4 =	simm.s32 $0x1BF5;
	[smem:$0x3FB7] =	sst s0  }
0x18: {  	s0 =	sld [smem:$0x3F9A];
	_ =	swait.ge [sflag:s4], $0x0  }
0x19: {  	s7 =	sld [smem:$0x3F9B]  }
0x1a: {  	s8 =	sadd.s32 $0xFFFFE003, lr  }
0x1b: {  	s9 =	sadd.s32 $0xFFFFFEF7, lr;
	s5 =	simm.s32 $0xFFFFFFFF;
	p2 =	slt.u32 s8, $0xFFFFF086  }
0x1c: {  	p1 =	slt.u32 s9, $0xF7A;
	s5 =	simm.s32 @!p2 $0x0  }
0x1d: {  	s5 =	simm.s32 @p1 $0x1;
	p0 =	seq.s32 s7, s2  }
0x1e: {  	s7 =	smul.u32 @!p0 $0xF7A, s2;
	p2 =	seq.s32 @!p0 s5, $0x0  }
0x1f: {  	s9 =	smul.u32 $0xF7A, s1;
	s8 =	simm.s32 @!p0 $0x1BF5;
	p2 =	por !p2, p0  }
0x20: {  	[sflag:s8] =	ssyncset.s32 @!p0 $0xFFFFF086;
	s6 =	sadd.s32 @!p0 s3, s7;
	s7 =	simm.s32 @!p0 $0x108  }
0x21: {  	s3 =	sadd.s32 s3, s9;
	s6 =	sadd.s32 @!p0 $0x88, s6;
	s7 =	simm.s32 @p2 $0x1082  }
0x22: {  	[simem:s7], [sflag:s8] =	dma.local @!p0 [hbm:s6], $0xF7A  }
0x23: {  	s9 =	sor.u32 $0xD0000000, s2;
	s6 =	simm.s32 $0x108;
	_ =	swait.ge @!p0 [sflag:s8], $0x0  }
0x24: {  	s3 =	sadd.s32 $0x88, s3;
	s6 =	simm.s32 @!p1 $0x1082;
	[sflag:s4] =	ssyncset.s32 $0xFFFFF086  }
0x25: {  	[simem:s6], [sflag:s4] =	dma.local [hbm:s3], $0xF7A  }
0x26: {  	[smem:$0x3F9B] =	sst s1;
	(tag) =	ssettag s2;
	_ =	strace s9  }
0x27: {  	s1 =	sld [smem:$0x3FAB]  }
0x28: {  	s2 =	sld [smem:$0x3FAC]  }
0x29: {  	s4 =	sld [smem:$0x3FAE]  }
0x2a: {  	p0 =	seq.s32 s5, $0x0;
	s5 =	sld [smem:$0x3FAF]  }
0x2b: {  	s6 =	sld [smem:$0x3FB0]  }
0x2c: {  	s7 =	sld [smem:$0x3FB1]  }
0x2d: {  	s3 =	simm.s32 $0x108;
	s8 =	sld [smem:$0x3FB2]  }
0x2e: {  	s3 =	simm.s32 @!p0 $0x1082;
	s9 =	sld [smem:$0x3FB3]  }
0x2f: {  	lr =	sadd.s32 s0, s3;
	s0 =	sld [smem:$0x3FAA]  }
0x30: {  	s3 =	sld [smem:$0x3FAD]  }
0x31: {  	[smem:$0x3FB6] =	sst s10  }
0x32: {  	s10 =	sld [smem:$0x3FB4];
	_ =	sdelay $0x3  }
0x33: {  	p0 =	seq.s32 s10, $0x1;
	s10 =	sld [smem:$0x3FB6];
	_ =	sdelay $0x3  }
0x34: {  	[smem:$0x3FB6] =	sst s10  }
0x35: {  	s10 =	sld [smem:$0x3FB5];
	_ =	sdelay $0x3  }
0x36: {  	p1 =	seq.s32 s10, $0x1;
	s10 =	sld [smem:$0x3FB6];
	_ =	sdelay $0x3  }
0x37: {  	[smem:$0x3FB6] =	sst s10  }
0x38: {  	s10 =	sld [smem:$0x3FB7]  }
0x39: {  	_ = 	snop;
	(pc) =	sbr.ind lr, $3  }
0x3a: {  	_ = 	snop  }
0x3b: {  	_ = 	snop  }
0x3c: {  	p2 =	seq.s32 s10, $0x1;
	s10 =	sld [smem:$0x3FB6]  }
0x3d: {  	_ =	shalt  }
0x3e: {  	_ =	shalt  }
0x3f: {  	_ =	shalt  }
0x40: {  	_ =	shalt  }
0x41: {  	_ =	shalt  }
0x42: {  	_ =	shalt  }
0x43: {  	_ =	shalt  }
0x44: {  	_ =	shalt  }
0x45: {  	_ =	shalt  }
0x46: {  	_ =	shalt  }
0x47: {  	_ =	shalt  }
0x48: {  	_ =	shalt  }
0x49: {  	_ =	shalt  }
0x4a: {  	_ =	shalt  }
0x4b: {  	_ =	shalt  }
0x4c: {  	_ =	shalt  }
0x4d: {  	_ =	shalt  }
0x4e: {  	_ =	shalt  }
0x4f: {  	_ =	shalt  }
0x50: {  	_ =	shalt  }
0x51: {  	_ =	shalt  }
0x52: {  	_ =	shalt  }
0x53: {  	_ =	shalt  }
0x54: {  	_ =	shalt  }
0x55: {  	_ =	shalt  }
0x56: {  	_ =	shalt  }
0x57: {  	_ =	shalt  }
0x58: {  	_ =	shalt  }
0x59: {  	_ =	shalt  }
0x5a: {  	_ =	shalt  }
0x5b: {  	_ =	shalt  }
0x5c: {  	_ =	shalt  }
0x5d: {  	_ =	shalt  }
0x5e: {  	_ =	shalt  }
0x5f: {  	_ =	shalt  }
0x60: {  	_ =	shalt  }
0x61: {  	_ =	shalt  }
0x62: {  	_ =	shalt  }
0x63: {  	_ =	shalt  }
0x64: {  	_ =	shalt  }
0x65: {  	_ =	shalt  }
0x66: {  	_ =	shalt  }
0x67: {  	_ =	shalt  }
0x68: {  	_ =	shalt  }
0x69: {  	_ =	shalt  }
0x6a: {  	_ =	shalt  }
0x6b: {  	_ =	shalt  }
0x6c: {  	_ =	shalt  }
0x6d: {  	_ =	shalt  }
0x6e: {  	_ =	shalt  }
0x6f: {  	_ =	shalt  }
0x70: {  	_ =	shalt  }
0x71: {  	_ =	shalt  }
0x72: {  	_ =	shalt  }
0x73: {  	_ =	shalt  }
0x74: {  	_ =	shalt  }
0x75: {  	_ =	shalt  }
0x76: {  	_ =	shalt  }
0x77: {  	_ =	shalt  }
0x78: {  	_ =	shalt  }
0x79: {  	_ =	shalt  }
0x7a: {  	_ =	shalt  }
0x7b: {  	_ =	shalt  }
0x7c: {  	_ =	shalt  }
0x7d: {  	_ =	shalt  }
0x7e: {  	_ =	shalt  }
0x7f: {  	_ =	shalt  }
0x80: {  	_ =	shalt  }
0x81: {  	_ =	shalt  }
0x82: {  	_ =	shalt  }
0x83: {  	_ =	shalt  }
0x84: {  	_ =	shalt  }
0x85: {  	_ =	shalt  }
0x86: {  	_ =	shalt  }
0x87: {  	_ =	shalt  }
.Lfunc_end0:
.L_simem_size_0:
called_computation_lowered:
.L_overlay_start_0:
0x88: {  	s2 =	sld [smem:$0x3FD9]  }
0x89: {  	s3 =	sld [smem:$0x3FFE];
	_ =	sdelay $0x1  }
0x8a: {  	s1 =	srdreg.scid  }
0x8b: {  	s0 =	sand.u32 $0x1, s1  }
0x8c: {  	s16 =	sshll.u32 s0, $0xA;
	s2 =	sadd.s32 s3, s2  }
0x8d: {  	s2 =	sadd.s32 s2, s16  }
0x8e: {  	[smem:$0x3FC2] =	sst s2  }
0x8f: {  	_ = 	snop  }
0x90: {  	(tm) =	ssettm $0x1  }
0x91: {  	s17 =	sld [smem:$0x3FFB];
	_ =	sdelay $0x3  }
0x92: {  	_ =	strace s17  }
0x93: {  	s2 =	sld [smem:$0x3FFC];
	_ =	sdelay $0x3  }
0x94: {  	_ =	strace s2  }
0x95: {  	s2 =	sld [smem:$0x3FFD];
	_ =	sdelay $0x3  }
0x96: {  	_ =	strace s2  }
0x97: {  	_ =	strace $0x8FFFFFFF  }
0x98: {  	s18 =	sld [smem:$0x3FDB];
	_ =	sdelay $0x1  }
0x99: {  	s19 =	simm.s32 $_scs_section_size  }
0x9a: {  	s4 =	simm.s32 $_size__tile_overlayer_lowered;
	s5 =	simm.s32 $_tile_overlayer_lowered  }
0x9b: {  	s22 =	simm.s32 $0x1BFF;
	s21 =	sshll.u32 s5, $0x1;
	s2 =	sadd.s32 s19, s18  }
0x9c: {  	s6 =	simm.s32 $0x0;
	s20 =	sshll.u32 s4, $0x1;
	s4 =	sadd.s32 s21, s2  }
0x9d: {  	[timem:s6], [sflag:s22] =	dma.local [hbm:s4], s20  }
0x9e: {  	_ =	swait.ge [sflag:s22], s20  }
0x9f: {  	s3 =	ssub.s32 $0x0, s20;
	[sflag:s22] =	ssyncset.done $0x0  }
0xa0: {  	[sflag:s22] =	ssyncadd.s32 s3;
	_ =	sdelay $0x1  }
0xa1: {  	s23 =	simm.s32 $0x1B8B  }
0xa2: {  	_ =	swait.ge [sflag:s23], $0x1  }
0xa3: {  	[sflag:s23] =	ssyncset.done $0x0  }
0xa4: {  	s25 =	simm.s32 $0x1B8E;
	s24 =	sld [smem:$0x3FFE];
	[sflag:s23] =	ssyncadd.s32 $0xFFFFFFFF  }
0xa5: {  	s26 =	simm.s32 $execute0_lowered;
	[smem:$0x3FD2] =	sst s25  }
0xa6: {  	s4 =	sshll.u32 s26, $0x1;
	_ =	strace $0x80000046;
	[dreg:$0x1] =	wrdreg $0xFFFFFFFF  }
0xa7: {  	s28 =	simm.s32 $_size_execute0_lowered;
	s2 =	sadd.s32 s2, s4;
	[dreg:$0x0] =	wrdreg $0x0  }
0xa8: {  	s4 =	sshll.u32 s28, $0x1;
	[dreg:$0x2] =	wrdreg s2  }
0xa9: {  	[dreg:$0x3] =	wrdreg s4  }
0xaa: {  	[dreg:$0x4] =	wrdreg $0xC0  }
0xab: {  	_ =	task [dreg:s6], $0x5FFFF  }
0xac: {  	[dreg:$0x1] =	wrdreg $0xFFFFFFFF  }
0xad: {  	[dreg:$0x0] =	wrdreg $0x60  }
0xae: {  	[dreg:$0x2] =	wrdreg s24  }
0xaf: {  	[dreg:$0x3] =	wrdreg $0xA4000  }
0xb0: {  	[dreg:$0x4] =	wrdreg $0x9  }
0xb1: {  	_ =	task.clear_ibuf [dreg:s6], $0x5FFFF;
	_ =	strace $0x90000046  }
0xb2: {  	s29 =	simm.s32 $0x9;
	_ =	strace $0x80000048  }
0xb3: {  	_ =	swait.ge [sflag:s29], $0x1  }
0xb4: {  	[sflag:s29] =	ssyncadd.s32 $0xFFFFFFFF  }
0xb5: {  	_ =	strace $0x90000048  }
0xb6: {  	_ =	sfence  }
0xb7: {  	s30 =	sld [smem:$0x0];
	_ =	sdelay $0x2  }
0xb8: {  	s31 =	sshll.u32 s1, $0xD;
	s1 =	sshrl.u32 s1, $0x2  }
0xb9: {  	s3 =	sand.u32 $0x4000, s31;
	s1 =	sadd.s32 s1, s30  }
0xba: {  	s0 =	sor.u32 s3, s0;
	s1 =	sshll.u32 s1, $0x11  }
0xbb: {  	s0 =	sor.u32 s1, s0  }
0xbc: {  	s0 =	sadd.s32 $0x8F2B, s0  }
0xbd: {  	[sflag:s0] =	ssyncadd.remote.s32 $0x1  }
0xbe: {  	_ =	sfence.sel $0xFFFF  }
0xbf: {  	[dreg:$0x0] =	wrdreg $0xFFFFFFFF;
	(pc) =	sbr.abs _section_cstart, $3  }
0xc0: {  	[dreg:$0x1] =	wrdreg $0xFFFFFFFF  }
0xc1: {  	_ =	task.clear_ibuf [dreg:s6], $0x2FFFF;
	_ =	strace $0x9FFFFFFF  }
0xc2: {  	(tm) =	ssettm $0x7FFFFFFF  }
0xc3: {  	_ =	shalt  }
tec
execute0_lowered:
.L_overlay_start_1:
0x0: {  	(tag) =	ssettag $0x1  }
0x1: {  	s0 =	srdreg.scid;
	s1 =	rddreg [dreg:$0x0]  }
0x2: {  	s8 =	stileid.u32;
	s2 =	rddreg [dreg:$0x1]  }
0x3: {  	s10 =	simm.s32 $0x5400;
	s11 =	simm.s32 $0x2;
	s12 =	simm.s32 $0x80  }
0x4: {  	s13 =	simm.s32 $0x1400;
	s22 =	simm.s32 $0xE00;
	s23 =	simm.s32 $0xE80  }
0x5: {  	s25 =	simm.s32 $0xF00;
	s28 =	simm.s32 $0x1000;
	s29 =	simm.s32 $0x1080  }
0x6: {  	s30 =	simm.s32 $0x1100;
	s31 =	simm.s32 $0x1180;
	s15 =	simm.s32 $0x1380  }
0x7: {  	s16 =	simm.s32 $0x1;
	s17 =	simm.s32 $0x0;
	s7 =	smul.u32 $0x50000, s8  }
0x8: {  	s0 =	sand.u32 $0x1, s0;
	s3 =	sshll.u32 s8, $0x1;
	s14 =	smul.u32 $0x2800, s8  }
0x9: {  	s4 =	sor.u32 s0, s3;
	s3 =	simm.s32 $0x0;
	s5 =	smul.u32 $0x28000, s0  }
0xa: {  	s0 =	ssub.s32 $0x2, s0;
	s4 =	smul.u32 $0x280, s4;
	[smem:$0x7FF] =	sst s3  }
0xb: {  	s6 =	sshrl.u32 s0, $0x1;
	s26 =	sshrl.u32 s7, $0x2;
	_ =	strace $0x80000047  }
0xc: {  	s0 =	ssub.s32 s0, s6;
	s4 =	sadd.s32 s4, s1;
	s1 =	sadd.s32 s5, s1  }
0xd: {  	s5 =	sadd.s32 s26, s2;
	s6 =	smax.u32 s0, $0x1;
	s26 =	simm.s32 $0xF80  }
0xe: {  	s0 =	simm.s32 $0x1280;
	s4 =	sadd.s32 $0x2C00, s4;
	s1 =	sadd.s32 $0x8000, s1  }
0xf: {  	s7 =	sadd.s32 $0x5000, s5;
	s8 =	sadd.s32 $0xA000, s5;
	s9 =	sadd.s32 $0xF000, s5  }
0x10: {  	v0 =	vimm.f32 $1.000000000e+00;
	v1 =	vimm.f32 $0.0e+00;
	s24 =	sadd.s32 s14, s1;
	s1 =	simm.s32 $0x1200;
	s14 =	simm.s32 $0x1300  }
.LBB2_1:
0x11: {  	s18 =	simm.s32 $0x0;
	s19 =	simm.s32 $0x0  }
.LBB2_2:
0x12: {  	p0 =	sne.s32 s19, $0xFFC0  }
.Ltmp0:
0x13: {  	_ = 	snop;
	(pc) =	sbr.rel @p0 .LBB2_2-.Ltmp0, $4  }
0x14: {  	s20 =	sand.u32 $0xFE00, s19  }
0x15: {  	s21 =	sand.u32 $0x70, s18;
	s20 =	sshrl.u32 s20, $0x2  }
0x16: {  	s20 =	sor.u32 s21, s20  }
0x17: {  	s18 =	sadd.s32 $0x10, s18;
	s19 =	sadd.s32 $0x40, s19;
	[tilespmem:s20+$0x1400] =	vst v0  }
0x18: {  	s18 =	simm.s32 $0x0  }
0x19: {  	s19 =	sand.u32 $0x1FE00, s18  }
0x1a: {  	s20 =	sand.u32 $0x70, s18;
	s21 =	sshrl.u32 s19, $0x2  }
0x1b: {  	s19 =	simm.s32 $0x40;
	s20 =	sor.u32 s20, s21  }
.LBB2_4:
0x1c: {  	p0 =	sne.s32 s19, $0x13FC0  }
0x1d: {  	[tilespmem:s20+$0x5400] =	vst v1;
	s18 =	sadd.s32 $0x10, s18;
	s20 =	smov.u32 s19;
	s19 =	sadd.s32 $0x40, s19  }
.Ltmp1:
0x1e: {  	(pc) =	sbr.rel @p0 .LBB2_4-.Ltmp1, $4  }
0x1f: {  	_ = 	snop  }
0x20: {  	s20 =	sand.u32 $0x1FE00, s20  }
0x21: {  	s21 =	sand.u32 $0x70, s18;
	s20 =	sshrl.u32 s20, $0x2  }
0x22: {  	s20 =	sor.u32 s21, s20  }
0x23: {  	[tilespmem:s20+$0x5400] =	vst v1  }
0x24: {  	[spmem:s5] =	stream.linear.scatter [tilespmem:s10], [sflag:$0x2], $0x5000, $0x38;
	[tilespmem:$0x1E400] =	vst v63  }
0x25: {  	_ =	swait.ge [sflag:s11], $0x5000  }
0x26: {  	[sflag:s11] =	ssyncset.done $0x0  }
0x27: {  	[sflag:s11] =	ssyncadd.s32 $0xFFFFB000  }
0x28: {  	[spmem:s7] =	stream.linear.scatter [tilespmem:s10], [sflag:$0x2], $0x5000, $0x38;
	[tilespmem:$0x1E400] =	vst v63  }
0x29: {  	_ =	swait.ge [sflag:s11], $0x5000  }
0x2a: {  	[sflag:s11] =	ssyncset.done $0x0  }
0x2b: {  	[sflag:s11] =	ssyncadd.s32 $0xFFFFB000  }
0x2c: {  	[spmem:s8] =	stream.linear.scatter [tilespmem:s10], [sflag:$0x2], $0x5000, $0x38;
	[tilespmem:$0x1E400] =	vst v63  }
0x2d: {  	_ =	swait.ge [sflag:s11], $0x5000  }
0x2e: {  	[sflag:s11] =	ssyncset.done $0x0  }
0x2f: {  	[sflag:s11] =	ssyncadd.s32 $0xFFFFB000  }
0x30: {  	[spmem:s9] =	stream.linear.scatter [tilespmem:s10], [sflag:$0x2], $0x5000, $0x38;
	[tilespmem:$0x1E400] =	vst v63  }
0x31: {  	_ =	swait.ge [sflag:s11], $0x5000  }
0x32: {  	[sflag:s11] =	ssyncset.done $0x0  }
0x33: {  	[sflag:s11] =	ssyncadd.s32 $0xFFFFB000  }
0x34: {  	[tilespmem:s3], [sflag:$0x2] =	stream.linear.gather [hbm4b:s4+s3], $0x1400, $0x38;
	[tilespmem:$0x1E400] =	vst v63  }
0x35: {  	_ =	swait.ge [sflag:s11], $0x1400  }
0x36: {  	[sflag:s11] =	ssyncset.done $0x0  }
0x37: {  	[sflag:s11] =	ssyncadd.s32 $0xFFFFEC00  }
0x38: {  	[bflag:$0x0] =	sbarrier.arrive $0xFFFF  }
0x39: {  	[spmem:s2] =	stream.indirect.scatter.add.f32 [tilespmem:s13], [sflag:$0x1], $0x80, s3, s12, $0xb8;
	[tilespmem:$0x1E400] =	vst v63  }
0x3a: {  	_ = 	snop  }
0x3b: {  	[spmem:s2] =	stream.indirect.scatter.add.f32 [tilespmem:s13], [sflag:$0x1], $0x80, s12, s12, $0xb8;
	[tilespmem:$0x1E400] =	vst v63  }
0x3c: {  	s18 =	simm.s32 $0x100  }
0x3d: {  	[spmem:s2] =	stream.indirect.scatter.add.f32 [tilespmem:s13], [sflag:$0x1], $0x80, s18, s12, $0xb8;
	[tilespmem:$0x1E400] =	vst v63  }
0x3e: {  	s21 =	simm.s32 $0x180  }
0x3f: {  	[spmem:s2] =	stream.indirect.scatter.add.f32 [tilespmem:s13], [sflag:$0x1], $0x80, s21, s12, $0xb8;
	[tilespmem:$0x1E400] =	vst v63  }
0x40: {  	s19 =	simm.s32 $0x200  }
0x41: {  	[spmem:s2] =	stream.indirect.scatter.add.f32 [tilespmem:s13], [sflag:$0x1], $0x80, s19, s12, $0xb8;
	[tilespmem:$0x1E400] =	vst v63  }
0x42: {  	s20 =	simm.s32 $0x280  }
0x43: {  	[spmem:s2] =	stream.indirect.scatter.add.f32 [tilespmem:s13], [sflag:$0x1], $0x80, s20, s12, $0xb8;
	[tilespmem:$0x1E400] =	vst v63  }
0x44: {  	s21 =	simm.s32 $0x300  }
0x45: {  	[spmem:s2] =	stream.indirect.scatter.add.f32 [tilespmem:s13], [sflag:$0x1], $0x80, s21, s12, $0xb8;
	[tilespmem:$0x1E400] =	vst v63  }
0x46: {  	s19 =	simm.s32 $0x380  }
0x47: {  	[spmem:s2] =	stream.indirect.scatter.add.f32 [tilespmem:s13], [sflag:$0x1], $0x80, s19, s12, $0xb8;
	[tilespmem:$0x1E400] =	vst v63  }
0x48: {  	s20 =	simm.s32 $0x400  }
0x49: {  	[spmem:s2] =	stream.indirect.scatter.add.f32 [tilespmem:s13], [sflag:$0x1], $0x80, s20, s12, $0xb8;
	[tilespmem:$0x1E400] =	vst v63  }
0x4a: {  	s21 =	simm.s32 $0x480  }
0x4b: {  	[spmem:s2] =	stream.indirect.scatter.add.f32 [tilespmem:s13], [sflag:$0x1], $0x80, s21, s12, $0xb8;
	[tilespmem:$0x1E400] =	vst v63  }
0x4c: {  	s19 =	simm.s32 $0x500  }
0x4d: {  	[spmem:s2] =	stream.indirect.scatter.add.f32 [tilespmem:s13], [sflag:$0x1], $0x80, s19, s12, $0xb8;
	[tilespmem:$0x1E400] =	vst v63  }
0x4e: {  	s20 =	simm.s32 $0x580  }
0x4f: {  	[spmem:s2] =	stream.indirect.scatter.add.f32 [tilespmem:s13], [sflag:$0x1], $0x80, s20, s12, $0xb8;
	[tilespmem:$0x1E400] =	vst v63  }
0x50: {  	s21 =	simm.s32 $0x600  }
0x51: {  	[spmem:s2] =	stream.indirect.scatter.add.f32 [tilespmem:s13], [sflag:$0x1], $0x80, s21, s12, $0xb8;
	[tilespmem:$0x1E400] =	vst v63  }
0x52: {  	s19 =	simm.s32 $0x680  }
0x53: {  	[spmem:s2] =	stream.indirect.scatter.add.f32 [tilespmem:s13], [sflag:$0x1], $0x80, s19, s12, $0xb8;
	[tilespmem:$0x1E400] =	vst v63  }
0x54: {  	s20 =	simm.s32 $0x700  }
0x55: {  	[spmem:s2] =	stream.indirect.scatter.add.f32 [tilespmem:s13], [sflag:$0x1], $0x80, s20, s12, $0xb8;
	[tilespmem:$0x1E400] =	vst v63  }
0x56: {  	s21 =	simm.s32 $0x780  }
0x57: {  	[spmem:s2] =	stream.indirect.scatter.add.f32 [tilespmem:s13], [sflag:$0x1], $0x80, s21, s12, $0xb8;
	[tilespmem:$0x1E400] =	vst v63  }
0x58: {  	s19 =	simm.s32 $0x800  }
0x59: {  	[spmem:s2] =	stream.indirect.scatter.add.f32 [tilespmem:s13], [sflag:$0x1], $0x80, s19, s12, $0xb8;
	[tilespmem:$0x1E400] =	vst v63  }
0x5a: {  	s20 =	simm.s32 $0x880  }
0x5b: {  	[spmem:s2] =	stream.indirect.scatter.add.f32 [tilespmem:s13], [sflag:$0x1], $0x80, s20, s12, $0xb8;
	[tilespmem:$0x1E400] =	vst v63  }
0x5c: {  	s21 =	simm.s32 $0x900  }
0x5d: {  	[spmem:s2] =	stream.indirect.scatter.add.f32 [tilespmem:s13], [sflag:$0x1], $0x80, s21, s12, $0xb8;
	[tilespmem:$0x1E400] =	vst v63  }
0x5e: {  	s19 =	simm.s32 $0x980  }
0x5f: {  	[spmem:s2] =	stream.indirect.scatter.add.f32 [tilespmem:s13], [sflag:$0x1], $0x80, s19, s12, $0xb8;
	[tilespmem:$0x1E400] =	vst v63  }
0x60: {  	s20 =	simm.s32 $0xA00  }
0x61: {  	[spmem:s2] =	stream.indirect.scatter.add.f32 [tilespmem:s13], [sflag:$0x1], $0x80, s20, s12, $0xb8;
	[tilespmem:$0x1E400] =	vst v63  }
0x62: {  	s21 =	simm.s32 $0xA80  }
0x63: {  	[spmem:s2] =	stream.indirect.scatter.add.f32 [tilespmem:s13], [sflag:$0x1], $0x80, s21, s12, $0xb8;
	[tilespmem:$0x1E400] =	vst v63  }
0x64: {  	s19 =	simm.s32 $0xB00  }
0x65: {  	[spmem:s2] =	stream.indirect.scatter.add.f32 [tilespmem:s13], [sflag:$0x1], $0x80, s19, s12, $0xb8;
	[tilespmem:$0x1E400] =	vst v63  }
0x66: {  	s20 =	simm.s32 $0xB80  }
0x67: {  	[spmem:s2] =	stream.indirect.scatter.add.f32 [tilespmem:s13], [sflag:$0x1], $0x80, s20, s12, $0xb8;
	[tilespmem:$0x1E400] =	vst v63  }
0x68: {  	s21 =	simm.s32 $0xC00  }
0x69: {  	[spmem:s2] =	stream.indirect.scatter.add.f32 [tilespmem:s13], [sflag:$0x1], $0x80, s21, s12, $0xb8;
	[tilespmem:$0x1E400] =	vst v63  }
0x6a: {  	s19 =	simm.s32 $0xC80  }
0x6b: {  	[spmem:s2] =	stream.indirect.scatter.add.f32 [tilespmem:s13], [sflag:$0x1], $0x80, s19, s12, $0xb8;
	[tilespmem:$0x1E400] =	vst v63  }
0x6c: {  	s20 =	simm.s32 $0xD00  }
0x6d: {  	[spmem:s2] =	stream.indirect.scatter.add.f32 [tilespmem:s13], [sflag:$0x1], $0x80, s20, s12, $0xb8;
	[tilespmem:$0x1E400] =	vst v63  }
0x6e: {  	s21 =	simm.s32 $0xD80  }
0x6f: {  	[spmem:s2] =	stream.indirect.scatter.add.f32 [tilespmem:s13], [sflag:$0x1], $0x80, s21, s12, $0xb8;
	[tilespmem:$0x1E400] =	vst v63  }
0x70: {  	_ = 	snop  }
0x71: {  	[spmem:s2] =	stream.indirect.scatter.add.f32 [tilespmem:s13], [sflag:$0x1], $0x80, s22, s12, $0xb8;
	[tilespmem:$0x1E400] =	vst v63  }
0x72: {  	_ = 	snop  }
0x73: {  	[spmem:s2] =	stream.indirect.scatter.add.f32 [tilespmem:s13], [sflag:$0x1], $0x80, s23, s12, $0xb8;
	[tilespmem:$0x1E400] =	vst v63  }
0x74: {  	_ = 	snop  }
0x75: {  	[spmem:s2] =	stream.indirect.scatter.add.f32 [tilespmem:s13], [sflag:$0x1], $0x80, s25, s12, $0xb8;
	[tilespmem:$0x1E400] =	vst v63  }
0x76: {  	_ = 	snop  }
0x77: {  	[spmem:s2] =	stream.indirect.scatter.add.f32 [tilespmem:s13], [sflag:$0x1], $0x80, s26, s12, $0xb8;
	[tilespmem:$0x1E400] =	vst v63  }
0x78: {  	_ = 	snop  }
0x79: {  	[spmem:s2] =	stream.indirect.scatter.add.f32 [tilespmem:s13], [sflag:$0x1], $0x80, s28, s12, $0xb8;
	[tilespmem:$0x1E400] =	vst v63  }
0x7a: {  	_ = 	snop  }
0x7b: {  	[spmem:s2] =	stream.indirect.scatter.add.f32 [tilespmem:s13], [sflag:$0x1], $0x80, s29, s12, $0xb8;
	[tilespmem:$0x1E400] =	vst v63  }
0x7c: {  	_ = 	snop  }
0x7d: {  	[spmem:s2] =	stream.indirect.scatter.add.f32 [tilespmem:s13], [sflag:$0x1], $0x80, s30, s12, $0xb8;
	[tilespmem:$0x1E400] =	vst v63  }
0x7e: {  	_ = 	snop  }
0x7f: {  	[spmem:s2] =	stream.indirect.scatter.add.f32 [tilespmem:s13], [sflag:$0x1], $0x80, s31, s12, $0xb8;
	[tilespmem:$0x1E400] =	vst v63  }
0x80: {  	_ = 	snop  }
0x81: {  	[spmem:s2] =	stream.indirect.scatter.add.f32 [tilespmem:s13], [sflag:$0x1], $0x80, s1, s12, $0xb8;
	[tilespmem:$0x1E400] =	vst v63  }
0x82: {  	_ = 	snop  }
0x83: {  	[spmem:s2] =	stream.indirect.scatter.add.f32 [tilespmem:s13], [sflag:$0x1], $0x80, s0, s12, $0xb8;
	[tilespmem:$0x1E400] =	vst v63  }
0x84: {  	_ = 	snop  }
0x85: {  	[spmem:s2] =	stream.indirect.scatter.add.f32 [tilespmem:s13], [sflag:$0x1], $0x80, s14, s12, $0xb8;
	[tilespmem:$0x1E400] =	vst v63  }
0x86: {  	_ = 	snop  }
0x87: {  	[spmem:s2] =	stream.indirect.scatter.add.f32 [tilespmem:s13], [sflag:$0x1], $0x80, s15, s12, $0xb8;
	[tilespmem:$0x1E400] =	vst v63  }
0x88: {  	_ =	swait.ge [sflag:s16], $0x4000  }
0x89: {  	s18 =	simm.s32 $0x27;
	[sflag:s16] =	ssyncset.done $0x0  }
.LBB2_6:
0x8a: {  	p0 =	sne.s32 s18, $0x1;
	s18 =	sadd.s32 $0xFFFFFFFF, s18;
	[sflag:s16] =	ssyncadd.s32 $0xFFFFC000  }
.Ltmp2:
0x8b: {  	(pc) =	sbr.rel @p0 .LBB2_6-.Ltmp2, $3  }
0x8c: {  	_ =	sdelay $0x1  }
0x8d: {  	_ =	swait.ge [sflag:s16], $0x4000  }
0x8e: {  	[sflag:s16] =	ssyncset.done $0x0  }
0x8f: {  	[sflag:s16] =	ssyncadd.s32 $0xFFFFC000;
	s18 =	stileid.u32;
	s17 =	sadd.s32 $0x1, s17  }
0x90: {  	s19 =	sshrl.u32 s5, $0x3;
	s18 =	sshll.u32 s18, $0x6;
	p0 =	sne.s32 s17, s6  }
.Ltmp3:
0x91: {  	[bflag:$0x0] =	sbarrier.arrive $0xFFFF;
	s18 =	sor.u32 $0x1C02, s18;
	(pc) =	sbr.rel @p0 .LBB2_1-.Ltmp3, $4  }
0x92: {  	[hbm:s24], [sflag:s18] =	dma.local [spmem:s19], $0x2800  }
0x93: {  	_ =	swait.ge [sflag:s11], $0x2800  }
0x94: {  	[sflag:s11] =	ssyncset.done $0x0  }
0x95: {  	[sflag:s11] =	ssyncadd.s32 $0xFFFFD800  }
0x96: {  	_ =	sfence.sel $0x180000  }
0x97: {  	[bflag:$0x0] =	sbarrier.arrive $0xFFFF  }
0x98: {  	_ =	strace $0x90000047  }
0x99: {  	s0 =	stileid.u32;
	[bflag:$0x2] =	sbarrier.arrive $0xFFFF  }
0x9a: {  	p0 =	sne.s32 s0, $0x0;
	s0 =	rddreg [dreg:$0x2]  }
0x9b: {  	s0 =	sadd.s32 @!p0 $0x100000, s0  }
0x9c: {  	[sflag:s0] =	ssyncadd.tile.s32 @!p0 $0x1;
	_ =	shalt  }
.Lfunc_end2:
_tile_overlayer_lowered:
.L_overlay_start_2:
0x9d: {  	(tag) =	ssettag $0x2  }
0x9e: {  	s0 =	rddreg [dreg:$0x0];
	s2 =	stileid.u32  }
0x9f: {  	s1 =	rddreg [dreg:$0x1];
	p0 =	sne.s32 s2, $0x0  }
0xa0: {  	s3 =	rddreg [dreg:$0x2];
	[bflag:$0x3] =	sbarrier.arrive $0xFFFF;
	s2 =	simm.s32 @!p0 $0x1C02  }
0xa1: {  	[timem:s3], [sflag:s2] =	dma.local @!p0 [hbm:s0], s1  }
0xa2: {  	s0 =	simm.s32 @!p0 $0x2  }
0xa3: {  	_ =	swait.ge @!p0 [sflag:s0], s1  }
0xa4: {  	s1 =	ssub.s32 @!p0 $0x0, s1;
	[sflag:s0] =	ssyncset.done @!p0 $0x0  }
0xa5: {  	[sflag:s0] =	ssyncadd.s32 @!p0 s1  }
0xa6: {  	[bflag:$0x3] =	sbarrier.arrive $0xFFFF  }
0xa7: {  	_ =	shalt  }

// kernel: _run.13.cloned.1.call-start
scs
__scs_entry_jumppad:
0x0: {  	(pc) =	sbr.rel $0x88, $3  }
0x1: {  	(tag) =	ssettag $0x0;
	lr =	simm.s32 $0x1  }
0x2: {  	[smem:$0x3F9B] =	sst lr;
	_ =	strace $0xD0000000  }
0x3: {  	_ = 	snop  }
0x4: {  	_ = 	snop  }
0x5: {  	_ = 	snop  }
0x6: {  	_ = 	snop  }
0x7: {  	_ = 	snop  }
__scs_overlays_trampoline_lowered:
0x8: {  	[smem:$0x3FAA] =	sst s0  }
0x9: {  	[smem:$0x3FAB] =	sst s1  }
0xa: {  	[smem:$0x3FAC] =	sst s2  }
0xb: {  	[smem:$0x3FAD] =	sst s3  }
0xc: {  	[smem:$0x3FAE] =	sst s4  }
0xd: {  	[smem:$0x3FAF] =	sst s5  }
0xe: {  	[smem:$0x3FB0] =	sst s6  }
0xf: {  	[smem:$0x3FB1] =	sst s7  }
0x10: {  	[smem:$0x3FB2] =	sst s8  }
0x11: {  	[smem:$0x3FB3] =	sst s9;
	s0 =	simm.s32 @!p0 $0x0  }
0x12: {  	s1 =	sld [smem:$0x3F99];
	s0 =	simm.s32 @p0 $0x1  }
0x13: {  	[smem:$0x3FB4] =	sst s0;
	s0 =	simm.s32 @!p1 $0x0  }
0x14: {  	s2 =	sld [smem:$0x3F98];
	s0 =	simm.s32 @p1 $0x1  }
0x15: {  	[smem:$0x3FB5] =	sst s0;
	s0 =	simm.s32 @!p2 $0x0  }
0x16: {  	s3 =	sld [smem:$0x3FDB];
	s0 =	simm.s32 @p2 $0x1  }
0x17: {  	s4 =	simm.s32 $0x1BF5;
	[smem:$0x3FB7] =	sst s0  }
0x18: {  	s0 =	sld [smem:$0x3F9A];
	_ =	swait.ge [sflag:s4], $0x0  }
0x19: {  	s7 =	sld [smem:$0x3F9B]  }
0x1a: {  	s8 =	sadd.s32 $0xFFFFE003, lr  }
0x1b: {  	s9 =	sadd.s32 $0xFFFFFEF7, lr;
	s5 =	simm.s32 $0xFFFFFFFF;
	p2 =	slt.u32 s8, $0xFFFFF086  }
0x1c: {  	p1 =	slt.u32 s9, $0xF7A;
	s5 =	simm.s32 @!p2 $0x0  }
0x1d: {  	s5 =	simm.s32 @p1 $0x1;
	p0 =	seq.s32 s7, s2  }
0x1e: {  	s7 =	smul.u32 @!p0 $0xF7A, s2;
	p2 =	seq.s32 @!p0 s5, $0x0  }
0x1f: {  	s9 =	smul.u32 $0xF7A, s1;
	s8 =	simm.s32 @!p0 $0x1BF5;
	p2 =	por !p2, p0  }
0x20: {  	[sflag:s8] =	ssyncset.s32 @!p0 $0xFFFFF086;
	s6 =	sadd.s32 @!p0 s3, s7;
	s7 =	simm.s32 @!p0 $0x108  }
0x21: {  	s3 =	sadd.s32 s3, s9;
	s6 =	sadd.s32 @!p0 $0x88, s6;
	s7 =	simm.s32 @p2 $0x1082  }
0x22: {  	[simem:s7], [sflag:s8] =	dma.local @!p0 [hbm:s6], $0xF7A  }
0x23: {  	s9 =	sor.u32 $0xD0000000, s2;
	s6 =	simm.s32 $0x108;
	_ =	swait.ge @!p0 [sflag:s8], $0x0  }
0x24: {  	s3 =	sadd.s32 $0x88, s3;
	s6 =	simm.s32 @!p1 $0x1082;
	[sflag:s4] =	ssyncset.s32 $0xFFFFF086  }
0x25: {  	[simem:s6], [sflag:s4] =	dma.local [hbm:s3], $0xF7A  }
0x26: {  	[smem:$0x3F9B] =	sst s1;
	(tag) =	ssettag s2;
	_ =	strace s9  }
0x27: {  	s1 =	sld [smem:$0x3FAB]  }
0x28: {  	s2 =	sld [smem:$0x3FAC]  }
0x29: {  	s4 =	sld [smem:$0x3FAE]  }
0x2a: {  	p0 =	seq.s32 s5, $0x0;
	s5 =	sld [smem:$0x3FAF]  }
0x2b: {  	s6 =	sld [smem:$0x3FB0]  }
0x2c: {  	s7 =	sld [smem:$0x3FB1]  }
0x2d: {  	s3 =	simm.s32 $0x108;
	s8 =	sld [smem:$0x3FB2]  }
0x2e: {  	s3 =	simm.s32 @!p0 $0x1082;
	s9 =	sld [smem:$0x3FB3]  }
0x2f: {  	lr =	sadd.s32 s0, s3;
	s0 =	sld [smem:$0x3FAA]  }
0x30: {  	s3 =	sld [smem:$0x3FAD]  }
0x31: {  	[smem:$0x3FB6] =	sst s10  }
0x32: {  	s10 =	sld [smem:$0x3FB4];
	_ =	sdelay $0x3  }
0x33: {  	p0 =	seq.s32 s10, $0x1;
	s10 =	sld [smem:$0x3FB6];
	_ =	sdelay $0x3  }
0x34: {  	[smem:$0x3FB6] =	sst s10  }
0x35: {  	s10 =	sld [smem:$0x3FB5];
	_ =	sdelay $0x3  }
0x36: {  	p1 =	seq.s32 s10, $0x1;
	s10 =	sld [smem:$0x3FB6];
	_ =	sdelay $0x3  }
0x37: {  	[smem:$0x3FB6] =	sst s10  }
0x38: {  	s10 =	sld [smem:$0x3FB7]  }
0x39: {  	_ = 	snop;
	(pc) =	sbr.ind lr, $3  }
0x3a: {  	_ = 	snop  }
0x3b: {  	_ = 	snop  }
0x3c: {  	p2 =	seq.s32 s10, $0x1;
	s10 =	sld [smem:$0x3FB6]  }
0x3d: {  	_ =	shalt  }
0x3e: {  	_ =	shalt  }
0x3f: {  	_ =	shalt  }
0x40: {  	_ =	shalt  }
0x41: {  	_ =	shalt  }
0x42: {  	_ =	shalt  }
0x43: {  	_ =	shalt  }
0x44: {  	_ =	shalt  }
0x45: {  	_ =	shalt  }
0x46: {  	_ =	shalt  }
0x47: {  	_ =	shalt  }
0x48: {  	_ =	shalt  }
0x49: {  	_ =	shalt  }
0x4a: {  	_ =	shalt  }
0x4b: {  	_ =	shalt  }
0x4c: {  	_ =	shalt  }
0x4d: {  	_ =	shalt  }
0x4e: {  	_ =	shalt  }
0x4f: {  	_ =	shalt  }
0x50: {  	_ =	shalt  }
0x51: {  	_ =	shalt  }
0x52: {  	_ =	shalt  }
0x53: {  	_ =	shalt  }
0x54: {  	_ =	shalt  }
0x55: {  	_ =	shalt  }
0x56: {  	_ =	shalt  }
0x57: {  	_ =	shalt  }
0x58: {  	_ =	shalt  }
0x59: {  	_ =	shalt  }
0x5a: {  	_ =	shalt  }
0x5b: {  	_ =	shalt  }
0x5c: {  	_ =	shalt  }
0x5d: {  	_ =	shalt  }
0x5e: {  	_ =	shalt  }
0x5f: {  	_ =	shalt  }
0x60: {  	_ =	shalt  }
0x61: {  	_ =	shalt  }
0x62: {  	_ =	shalt  }
0x63: {  	_ =	shalt  }
0x64: {  	_ =	shalt  }
0x65: {  	_ =	shalt  }
0x66: {  	_ =	shalt  }
0x67: {  	_ =	shalt  }
0x68: {  	_ =	shalt  }
0x69: {  	_ =	shalt  }
0x6a: {  	_ =	shalt  }
0x6b: {  	_ =	shalt  }
0x6c: {  	_ =	shalt  }
0x6d: {  	_ =	shalt  }
0x6e: {  	_ =	shalt  }
0x6f: {  	_ =	shalt  }
0x70: {  	_ =	shalt  }
0x71: {  	_ =	shalt  }
0x72: {  	_ =	shalt  }
0x73: {  	_ =	shalt  }
0x74: {  	_ =	shalt  }
0x75: {  	_ =	shalt  }
0x76: {  	_ =	shalt  }
0x77: {  	_ =	shalt  }
0x78: {  	_ =	shalt  }
0x79: {  	_ =	shalt  }
0x7a: {  	_ =	shalt  }
0x7b: {  	_ =	shalt  }
0x7c: {  	_ =	shalt  }
0x7d: {  	_ =	shalt  }
0x7e: {  	_ =	shalt  }
0x7f: {  	_ =	shalt  }
0x80: {  	_ =	shalt  }
0x81: {  	_ =	shalt  }
0x82: {  	_ =	shalt  }
0x83: {  	_ =	shalt  }
0x84: {  	_ =	shalt  }
0x85: {  	_ =	shalt  }
0x86: {  	_ =	shalt  }
0x87: {  	_ =	shalt  }
.Lfunc_end0:
.L_simem_size_0:
called_computation.1_lowered:
.L_overlay_start_0:
0x88: {  	s2 =	sld [smem:$0x3FD9]  }
0x89: {  	s3 =	sld [smem:$0x3FFE];
	_ =	sdelay $0x1  }
0x8a: {  	s1 =	srdreg.scid  }
0x8b: {  	s0 =	sand.u32 $0x1, s1  }
0x8c: {  	s17 =	sshll.u32 s0, $0xA;
	s2 =	sadd.s32 s3, s2  }
0x8d: {  	s2 =	sadd.s32 s2, s17  }
0x8e: {  	[smem:$0x3FC2] =	sst s2  }
0x8f: {  	_ = 	snop  }
0x90: {  	s2 =	sld [smem:$0x3FD0];
	(tm) =	ssettm $0x1  }
0x91: {  	s18 =	sld [smem:$0x3FFB];
	_ =	sdelay $0x3  }
0x92: {  	_ =	strace s18  }
0x93: {  	s3 =	sld [smem:$0x3FFC];
	_ =	sdelay $0x3  }
0x94: {  	_ =	strace s3  }
0x95: {  	s3 =	sld [smem:$0x3FFD];
	_ =	sdelay $0x3  }
0x96: {  	_ =	strace s3  }
0x97: {  	_ =	strace $0x8FFFFFFF  }
0x98: {  	s19 =	sld [smem:$0x3FDB];
	_ =	sdelay $0x1  }
0x99: {  	s4 =	simm.s32 $_scs_section_size  }
0x9a: {  	s5 =	simm.s32 $_size__tile_overlayer_lowered;
	s6 =	simm.s32 $_tile_overlayer_lowered  }
0x9b: {  	s22 =	simm.s32 $0x1BFF;
	s21 =	sshll.u32 s6, $0x1;
	s3 =	sadd.s32 s4, s19  }
0x9c: {  	s7 =	simm.s32 $0x0;
	s20 =	sshll.u32 s5, $0x1;
	s5 =	sadd.s32 s21, s3  }
0x9d: {  	[timem:s7], [sflag:s22] =	dma.local [hbm:s5], s20  }
0x9e: {  	_ =	swait.ge [sflag:s22], s20  }
0x9f: {  	s4 =	ssub.s32 $0x0, s20;
	[sflag:s22] =	ssyncset.done $0x0  }
0xa0: {  	[sflag:s22] =	ssyncadd.s32 s4;
	_ =	sdelay $0x1  }
0xa1: {  	s23 =	simm.s32 $0x1B8B  }
0xa2: {  	_ =	swait.ge [sflag:s23], $0x1  }
0xa3: {  	[sflag:s23] =	ssyncset.done $0x0  }
0xa4: {  	s25 =	simm.s32 $0x1B8E;
	s24 =	sld [smem:$0x3FFE];
	[sflag:s23] =	ssyncadd.s32 $0xFFFFFFFF  }
0xa5: {  	s26 =	simm.s32 $execute0_lowered;
	[smem:$0x3FD2] =	sst s25  }
0xa6: {  	s5 =	sshll.u32 s26, $0x1;
	_ =	strace $0x80000049;
	[dreg:$0x1] =	wrdreg $0xFFFFFFFF  }
0xa7: {  	s28 =	simm.s32 $_size_execute0_lowered;
	s3 =	sadd.s32 s3, s5;
	[dreg:$0x0] =	wrdreg $0x0  }
0xa8: {  	s5 =	sshll.u32 s28, $0x1;
	[dreg:$0x2] =	wrdreg s3  }
0xa9: {  	[dreg:$0x3] =	wrdreg s5  }
0xaa: {  	[dreg:$0x4] =	wrdreg $0xC0  }
0xab: {  	_ =	task [dreg:s7], $0x5FFFF  }
0xac: {  	[dreg:$0x1] =	wrdreg $0xFFFFFFFF  }
0xad: {  	[dreg:$0x0] =	wrdreg $0x60  }
0xae: {  	[dreg:$0x2] =	wrdreg s2  }
0xaf: {  	[dreg:$0x3] =	wrdreg s24  }
0xb0: {  	[dreg:$0x4] =	wrdreg $0xC0000  }
0xb1: {  	[dreg:$0x5] =	wrdreg $0x9  }
0xb2: {  	_ =	task.clear_ibuf [dreg:s7], $0x6FFFF;
	_ =	strace $0x90000049  }
0xb3: {  	s29 =	simm.s32 $0x9;
	_ =	strace $0x8000004B  }
0xb4: {  	_ =	swait.ge [sflag:s29], $0x1  }
0xb5: {  	[sflag:s29] =	ssyncadd.s32 $0xFFFFFFFF  }
0xb6: {  	_ =	strace $0x9000004B  }
0xb7: {  	_ =	sfence  }
0xb8: {  	s30 =	sld [smem:$0x0];
	_ =	sdelay $0x2  }
0xb9: {  	s31 =	sshll.u32 s1, $0xD;
	s1 =	sshrl.u32 s1, $0x2  }
0xba: {  	s3 =	sand.u32 $0x4000, s31;
	s1 =	sadd.s32 s1, s30  }
0xbb: {  	s0 =	sor.u32 s3, s0;
	s1 =	sshll.u32 s1, $0x11  }
0xbc: {  	s0 =	sor.u32 s1, s0  }
0xbd: {  	s0 =	sadd.s32 $0x8F2B, s0  }
0xbe: {  	[sflag:s0] =	ssyncadd.remote.s32 $0x1  }
0xbf: {  	_ =	sfence.sel $0xFFFF  }
0xc0: {  	[dreg:$0x0] =	wrdreg $0xFFFFFFFF;
	(pc) =	sbr.abs _section_cstart, $3  }
0xc1: {  	[dreg:$0x1] =	wrdreg $0xFFFFFFFF  }
0xc2: {  	_ =	task.clear_ibuf [dreg:s7], $0x2FFFF;
	_ =	strace $0x9FFFFFFF  }
0xc3: {  	(tm) =	ssettm $0x7FFFFFFF  }
tec
execute0_lowered:
.L_overlay_start_1:
0x0: {  	(tag) =	ssettag $0x1  }
0x1: {  	s8 =	rddreg [dreg:$0x0]  }
0x2: {  	s5 =	rddreg [dreg:$0x1]  }
0x3: {  	s2 =	rddreg [dreg:$0x2];
	s3 =	simm.s32 $0x0;
	s4 =	srdreg.scid  }
0x4: {  	s0 =	stileid.u32;
	s18 =	simm.s32 $0x3;
	s19 =	simm.s32 $0x2000  }
0x5: {  	s20 =	simm.s32 $0x80;
	s21 =	simm.s32 $0x8000;
	s22 =	simm.s32 $0x1  }
0x6: {  	s23 =	simm.s32 $0x2;
	s26 =	simm.s32 $0x0;
	[smem:$0x7FF] =	sst s3  }
0x7: {  	s16 =	sand.u32 $0x1, s4;
	s28 =	sshll.u32 s0, $0x8;
	s7 =	smul.u32 $0x50000, s0  }
0x8: {  	s6 =	sshll.u32 s0, $0xA;
	s4 =	sadd.s32 $0x8000, s5;
	s24 =	smul.u32 $0x2800, s0  }
0x9: {  	s17 =	sshll.u32 s0, $0x6;
	p0 =	seq.s32 s16, $0x0;
	s9 =	sor.u32 $0x4000, s28  }
0xa: {  	s29 =	smul.u32 $0x28000, s16;
	_ =	strace $0x8000004A;
	s30 =	ssub.s32 $0x2, s16  }
0xb: {  	s9 =	smov.u32 @p0 s6;
	s12 =	sshrl.u32 s30, $0x1;
	s31 =	sshrl.u32 s7, $0x2  }
0xc: {  	s7 =	sadd.s32 s4, s24;
	s10 =	sadd.s32 s9, s5;
	s11 =	sadd.s32 s29, s5  }
0xd: {  	s5 =	simm.s32 $0x40;
	s12 =	ssub.s32 s30, s12;
	s6 =	sadd.s32 s31, s2  }
0xe: {  	s8 =	sadd.s32 s8, s9;
	s5 =	simm.s32 @!p0 $0x10;
	s9 =	sadd.s32 $0x2C00, s10  }
0xf: {  	s25 =	sadd.s32 $0x30000, s11;
	s10 =	smax.u32 s12, $0x1;
	s11 =	sadd.s32 $0x4000, s6  }
0x10: {  	s12 =	sadd.s32 $0x8000, s6;
	s13 =	sadd.s32 $0xC000, s6;
	s14 =	sadd.s32 $0x10000, s6  }
0x11: {  	p0 =	sne.s32 s16, $0x0;
	s16 =	sor.u32 $0x1C03, s17;
	s17 =	sshrl.u32 s6, $0x3  }
0x12: {  	v0 =	vimm.f32 $0.0e+00;
	s15 =	sadd.s32 $0xFFFFFFFF, s5;
	s24 =	sadd.s32 s24, s25;
	s25 =	simm.s32 $0x4000  }
.LBB2_1:
.Ltmp0:
0x13: {  	(pc) =	sbr.rel @p0 .LBB2_3-.Ltmp0, $1  }
0x14: {  	_ =	sdelay $0x3  }
.Ltmp1:
0x15: {  	(pc) =	sbr.rel .LBB2_6-.Ltmp1, $4  }
0x16: {  	[spmem:s17], [sflag:s16] =	dma.local [hbm:s7], $0x2800  }
0x17: {  	_ =	swait.ge [sflag:s18], $0x2800  }
0x18: {  	[sflag:s18] =	ssyncset.done $0x0  }
0x19: {  	[sflag:s18] =	ssyncadd.s32 $0xFFFFD800  }
.LBB2_3:
0x1a: {  	s28 =	sand.u32 $0xFE00, s3  }
0x1b: {  	s29 =	sand.u32 $0x70, s3;
	s30 =	sshrl.u32 s28, $0x2  }
0x1c: {  	s28 =	simm.s32 $0x40;
	s30 =	sor.u32 s29, s30;
	s29 =	simm.s32 $0x0  }
.LBB2_4:
0x1d: {  	p1 =	seq.s32 s28, $0xFFC0  }
0x1e: {  	[tilespmem:s30+$0x4000] =	vst v0;
	s29 =	sadd.s32 $0x10, s29;
	s30 =	smov.u32 s28;
	s28 =	sadd.s32 $0x40, s28  }
.Ltmp2:
0x1f: {  	(pc) =	sbr.rel @!p1 .LBB2_4-.Ltmp2, $4  }
0x20: {  	_ = 	snop  }
0x21: {  	s30 =	sand.u32 $0xFE00, s30  }
0x22: {  	s31 =	sand.u32 $0x70, s29;
	s30 =	sshrl.u32 s30, $0x2  }
0x23: {  	s30 =	sor.u32 s31, s30  }
0x24: {  	[tilespmem:s30+$0x4000] =	vst v0  }
0x25: {  	[spmem:s6] =	stream.linear.scatter [tilespmem:s25], [sflag:$0x3], $0x4000, $0x38;
	v63 =	vld [tilespmem:$0x0]  }
0x26: {  	_ =	swait.ge [sflag:s18], $0x4000  }
0x27: {  	[sflag:s18] =	ssyncset.done $0x0  }
0x28: {  	[sflag:s18] =	ssyncadd.s32 $0xFFFFC000  }
0x29: {  	[spmem:s11] =	stream.linear.scatter [tilespmem:s25], [sflag:$0x3], $0x4000, $0x38;
	v63 =	vld [tilespmem:$0x0]  }
0x2a: {  	_ =	swait.ge [sflag:s18], $0x4000  }
0x2b: {  	[sflag:s18] =	ssyncset.done $0x0  }
0x2c: {  	[sflag:s18] =	ssyncadd.s32 $0xFFFFC000  }
0x2d: {  	[spmem:s12] =	stream.linear.scatter [tilespmem:s25], [sflag:$0x3], $0x4000, $0x38;
	v63 =	vld [tilespmem:$0x0]  }
0x2e: {  	_ =	swait.ge [sflag:s18], $0x4000  }
0x2f: {  	[sflag:s18] =	ssyncset.done $0x0  }
0x30: {  	[sflag:s18] =	ssyncadd.s32 $0xFFFFC000  }
0x31: {  	[spmem:s13] =	stream.linear.scatter [tilespmem:s25], [sflag:$0x3], $0x4000, $0x38;
	v63 =	vld [tilespmem:$0x0]  }
0x32: {  	_ =	swait.ge [sflag:s18], $0x4000  }
0x33: {  	[sflag:s18] =	ssyncset.done $0x0  }
0x34: {  	[sflag:s18] =	ssyncadd.s32 $0xFFFFC000  }
0x35: {  	[spmem:s14] =	stream.linear.scatter [tilespmem:s25], [sflag:$0x3], $0x4000, $0x38;
	v63 =	vld [tilespmem:$0x0]  }
0x36: {  	_ =	swait.ge [sflag:s18], $0x4000  }
0x37: {  	[sflag:s18] =	ssyncset.done $0x0  }
0x38: {  	[sflag:s18] =	ssyncadd.s32 $0xFFFFC000  }
.LBB2_6:
0x39: {  	s28 =	simm.s32 $0x0  }
0x3a: {  	[tilespmem:s28], [sflag:$0x3] =	stream.linear.gather [hbm4b:s8+s28], $0x2000, $0x38;
	v63 =	vld [tilespmem:$0x0]  }
0x3b: {  	_ =	swait.ge [sflag:s18], $0x2000  }
0x3c: {  	[sflag:s18] =	ssyncset.done $0x0  }
0x3d: {  	[sflag:s18] =	ssyncadd.s32 $0xFFFFE000  }
0x3e: {  	[tilespmem:s19], [sflag:$0x3] =	stream.linear.gather [hbm4b:s9+s28], $0x2000, $0x38;
	v63 =	vld [tilespmem:$0x0]  }
0x3f: {  	_ =	swait.ge [sflag:s18], $0x2000  }
0x40: {  	[sflag:s18] =	ssyncset.done $0x0  }
0x41: {  	[sflag:s18] =	ssyncadd.s32 $0xFFFFE000  }
0x42: {  	s29 =	simm.s32 $0x4000;
	[bflag:$0x0] =	sbarrier.arrive $0xFFFF  }
0x43: {  	[tilespmem:s29], [sflag:$0x1] =	stream.indirect.gather [hbm4b:s4+s20], $0x80, s28, s20, $0xb8;
	v63 =	vld [tilespmem:$0x0]  }
0x44: {  	_ = 	snop  }
0x45: {  	[tilespmem:s21], [sflag:$0x1] =	stream.indirect.gather [hbm4b:s4+s20], $0x80, s20, s20, $0xb8;
	v63 =	vld [tilespmem:$0x0]  }
0x46: {  	_ =	swait.ge [sflag:s22], $0x4000  }
0x47: {  	[sflag:s22] =	ssyncset.done $0x0  }
0x48: {  	[sflag:s22] =	ssyncadd.s32 $0xFFFFC000  }
0x49: {  	[spmem:s2] =	stream.indirect.scatter.add.f32 [tilespmem:s29], [sflag:$0x2], $0x80, s19, s20, $0xb8;
	v63 =	vld [tilespmem:$0x0]  }
0x4a: {  	_ =	swait.ge [sflag:s22], $0x4000  }
0x4b: {  	p1 =	sle.u32 s5, $0x2;
	s30 =	sand.u32 $0x4000, s29;
	[sflag:s22] =	ssyncset.done $0x0  }
0x4c: {  	s30 =	sadd.s32 $0x4000, s30;
	s28 =	simm.s32 $0x2080;
	[sflag:s22] =	ssyncadd.s32 $0xFFFFC000  }
0x4d: {  	[spmem:s2] =	stream.indirect.scatter.add.f32 [tilespmem:s30], [sflag:$0x2], $0x80, s28, s20, $0xb8;
	v63 =	vld [tilespmem:$0x0]  }
0x4e: {  	s29 =	sxor.u32 @!p1 $0xFFFFFFFF, s29;
	_ =	swait.ge [sflag:s23], $0x4000  }
0x4f: {  	s31 =	simm.s32 @!p1 $0x80;
	s29 =	sand.u32 @!p1 $0x4000, s29;
	[sflag:s23] =	ssyncset.done $0x0  }
0x50: {  	s29 =	sadd.s32 @!p1 $0x4000, s29;
	s30 =	simm.s32 $0x100;
	[sflag:s23] =	ssyncadd.s32 $0xFFFFC000  }
0x51: {  	[tilespmem:s29], [sflag:$0x1] =	stream.indirect.gather @!p1 [hbm4b:s4+s31], $0x80, s30, s31, $0xb8;
	v63 =	vld [tilespmem:$0x0]  }
0x52: {  	p1 =	sne.s32 s15, $0x1  }
.Ltmp3:
0x53: {  	_ = 	snop;
	(pc) =	sbr.rel @!p1 .LBB2_8-.Ltmp3, $2  }
0x54: {  	_ =	sdelay $0x2  }
0x55: {  	s29 =	simm.s32 $0x1;
	s30 =	simm.s32 $0x8000;
	s31 =	simm.s32 $0x180  }
.LBB2_7:
0x56: {  	_ =	swait.ge [sflag:s22], $0x4000  }
0x57: {  	s28 =	sadd.s32 $0x80, s28;
	s0 =	smov.u32 s29;
	s29 =	sadd.s32 $0x1, s29  }
0x58: {  	s1 =	sand.u32 $0x4000, s30;
	[sflag:s22] =	ssyncset.done $0x0;
	p1 =	sne.s32 s15, s29  }
0x59: {  	s1 =	sadd.s32 $0x4000, s1;
	s0 =	sadd.s32 $0x2, s0;
	[sflag:s22] =	ssyncadd.s32 $0xFFFFC000  }
0x5a: {  	[spmem:s2] =	stream.indirect.scatter.add.f32 [tilespmem:s1], [sflag:$0x2], $0x80, s28, s20, $0xb8;
	v63 =	vld [tilespmem:$0x0]  }
0x5b: {  	p2 =	sge.u32 s0, s5;
	_ =	swait.ge [sflag:s23], $0x4000  }
.Ltmp4:
0x5c: {  	s0 =	sxor.u32 @!p2 $0xFFFFFFFF, s30;
	[sflag:s23] =	ssyncset.done $0x0;
	(pc) =	sbr.rel @p1 .LBB2_7-.Ltmp4, $4  }
0x5d: {  	s0 =	sand.u32 @!p2 $0x4000, s0;
	[sflag:s23] =	ssyncadd.s32 $0xFFFFC000  }
0x5e: {  	s1 =	simm.s32 @!p2 $0x80;
	s0 =	sadd.s32 @!p2 $0x4000, s0  }
0x5f: {  	[tilespmem:s0], [sflag:$0x1] =	stream.indirect.gather @!p2 [hbm4b:s4+s1], $0x80, s31, s1, $0xb8;
	v63 =	vld [tilespmem:$0x0]  }
0x60: {  	s30 =	sadd.s32 $0x4000, s30;
	s31 =	sadd.s32 $0x80, s31  }
.LBB2_8:
0x61: {  	_ =	swait.ge [sflag:s23], $0x4000  }
0x62: {  	s26 =	sadd.s32 $0x1, s26;
	[sflag:s23] =	ssyncset.done $0x0  }
0x63: {  	p1 =	sne.s32 s26, s10;
	[sflag:s23] =	ssyncadd.s32 $0xFFFFC000  }
.Ltmp5:
0x64: {  	[bflag:$0x0] =	sbarrier.arrive $0xFFFF;
	(pc) =	sbr.rel @p1 .LBB2_1-.Ltmp5, $4  }
0x65: {  	[hbm:s24], [sflag:s16] =	dma.local [spmem:s17], $0x2800  }
0x66: {  	_ =	swait.ge [sflag:s18], $0x2800  }
0x67: {  	[sflag:s18] =	ssyncset.done $0x0  }
0x68: {  	[sflag:s18] =	ssyncadd.s32 $0xFFFFD800  }
0x69: {  	_ =	sfence.sel $0x180000  }
0x6a: {  	[bflag:$0x0] =	sbarrier.arrive $0xFFFF  }
0x6b: {  	_ =	strace $0x9000004A  }
0x6c: {  	s0 =	stileid.u32;
	[bflag:$0x2] =	sbarrier.arrive $0xFFFF  }
0x6d: {  	p0 =	sne.s32 s0, $0x0;
	s0 =	rddreg [dreg:$0x3]  }
0x6e: {  	s0 =	sadd.s32 @!p0 $0x100000, s0  }
0x6f: {  	[sflag:s0] =	ssyncadd.tile.s32 @!p0 $0x1;
	_ =	shalt  }
.Lfunc_end2:
_tile_overlayer_lowered:
.L_overlay_start_2:
0x70: {  	(tag) =	ssettag $0x2  }
0x71: {  	s0 =	rddreg [dreg:$0x0];
	s2 =	stileid.u32  }
0x72: {  	s1 =	rddreg [dreg:$0x1];
	p0 =	sne.s32 s2, $0x0  }
0x73: {  	s3 =	rddreg [dreg:$0x2];
	[bflag:$0x3] =	sbarrier.arrive $0xFFFF;
	s2 =	simm.s32 @!p0 $0x1C03  }
0x74: {  	[timem:s3], [sflag:s2] =	dma.local @!p0 [hbm:s0], s1  }
0x75: {  	s0 =	simm.s32 @!p0 $0x3  }
0x76: {  	_ =	swait.ge @!p0 [sflag:s0], s1  }
0x77: {  	s1 =	ssub.s32 @!p0 $0x0, s1;
	[sflag:s0] =	ssyncset.done @!p0 $0x0  }
0x78: {  	[sflag:s0] =	ssyncadd.s32 @!p0 s1  }
0x79: {  	[bflag:$0x3] =	sbarrier.arrive $0xFFFF  }
0x7a: {  	_ =	shalt  }

// kernel: _run.16.cloned.1.call-start
scs
__scs_entry_jumppad:
0x0: {  	(pc) =	sbr.rel $0x88, $3  }
0x1: {  	(tag) =	ssettag $0x0;
	lr =	simm.s32 $0x1  }
0x2: {  	[smem:$0x3F9B] =	sst lr;
	_ =	strace $0xD0000000  }
0x3: {  	_ = 	snop  }
0x4: {  	_ = 	snop  }
0x5: {  	_ = 	snop  }
0x6: {  	_ = 	snop  }
0x7: {  	_ = 	snop  }
__scs_overlays_trampoline_lowered:
0x8: {  	[smem:$0x3FAA] =	sst s0  }
0x9: {  	[smem:$0x3FAB] =	sst s1  }
0xa: {  	[smem:$0x3FAC] =	sst s2  }
0xb: {  	[smem:$0x3FAD] =	sst s3  }
0xc: {  	[smem:$0x3FAE] =	sst s4  }
0xd: {  	[smem:$0x3FAF] =	sst s5  }
0xe: {  	[smem:$0x3FB0] =	sst s6  }
0xf: {  	[smem:$0x3FB1] =	sst s7  }
0x10: {  	[smem:$0x3FB2] =	sst s8  }
0x11: {  	[smem:$0x3FB3] =	sst s9;
	s0 =	simm.s32 @!p0 $0x0  }
0x12: {  	s1 =	sld [smem:$0x3F99];
	s0 =	simm.s32 @p0 $0x1  }
0x13: {  	[smem:$0x3FB4] =	sst s0;
	s0 =	simm.s32 @!p1 $0x0  }
0x14: {  	s2 =	sld [smem:$0x3F98];
	s0 =	simm.s32 @p1 $0x1  }
0x15: {  	[smem:$0x3FB5] =	sst s0;
	s0 =	simm.s32 @!p2 $0x0  }
0x16: {  	s3 =	sld [smem:$0x3FDB];
	s0 =	simm.s32 @p2 $0x1  }
0x17: {  	s4 =	simm.s32 $0x1BF5;
	[smem:$0x3FB7] =	sst s0  }
0x18: {  	s0 =	sld [smem:$0x3F9A];
	_ =	swait.ge [sflag:s4], $0x0  }
0x19: {  	s7 =	sld [smem:$0x3F9B]  }
0x1a: {  	s8 =	sadd.s32 $0xFFFFE003, lr  }
0x1b: {  	s9 =	sadd.s32 $0xFFFFFEF7, lr;
	s5 =	simm.s32 $0xFFFFFFFF;
	p2 =	slt.u32 s8, $0xFFFFF086  }
0x1c: {  	p1 =	slt.u32 s9, $0xF7A;
	s5 =	simm.s32 @!p2 $0x0  }
0x1d: {  	s5 =	simm.s32 @p1 $0x1;
	p0 =	seq.s32 s7, s2  }
0x1e: {  	s7 =	smul.u32 @!p0 $0xF7A, s2;
	p2 =	seq.s32 @!p0 s5, $0x0  }
0x1f: {  	s9 =	smul.u32 $0xF7A, s1;
	s8 =	simm.s32 @!p0 $0x1BF5;
	p2 =	por !p2, p0  }
0x20: {  	[sflag:s8] =	ssyncset.s32 @!p0 $0xFFFFF086;
	s6 =	sadd.s32 @!p0 s3, s7;
	s7 =	simm.s32 @!p0 $0x108  }
0x21: {  	s3 =	sadd.s32 s3, s9;
	s6 =	sadd.s32 @!p0 $0x88, s6;
	s7 =	simm.s32 @p2 $0x1082  }
0x22: {  	[simem:s7], [sflag:s8] =	dma.local @!p0 [hbm:s6], $0xF7A  }
0x23: {  	s9 =	sor.u32 $0xD0000000, s2;
	s6 =	simm.s32 $0x108;
	_ =	swait.ge @!p0 [sflag:s8], $0x0  }
0x24: {  	s3 =	sadd.s32 $0x88, s3;
	s6 =	simm.s32 @!p1 $0x1082;
	[sflag:s4] =	ssyncset.s32 $0xFFFFF086  }
0x25: {  	[simem:s6], [sflag:s4] =	dma.local [hbm:s3], $0xF7A  }
0x26: {  	[smem:$0x3F9B] =	sst s1;
	(tag) =	ssettag s2;
	_ =	strace s9  }
0x27: {  	s1 =	sld [smem:$0x3FAB]  }
0x28: {  	s2 =	sld [smem:$0x3FAC]  }
0x29: {  	s4 =	sld [smem:$0x3FAE]  }
0x2a: {  	p0 =	seq.s32 s5, $0x0;
	s5 =	sld [smem:$0x3FAF]  }
0x2b: {  	s6 =	sld [smem:$0x3FB0]  }
0x2c: {  	s7 =	sld [smem:$0x3FB1]  }
0x2d: {  	s3 =	simm.s32 $0x108;
	s8 =	sld [smem:$0x3FB2]  }
0x2e: {  	s3 =	simm.s32 @!p0 $0x1082;
	s9 =	sld [smem:$0x3FB3]  }
0x2f: {  	lr =	sadd.s32 s0, s3;
	s0 =	sld [smem:$0x3FAA]  }
0x30: {  	s3 =	sld [smem:$0x3FAD]  }
0x31: {  	[smem:$0x3FB6] =	sst s10  }
0x32: {  	s10 =	sld [smem:$0x3FB4];
	_ =	sdelay $0x3  }
0x33: {  	p0 =	seq.s32 s10, $0x1;
	s10 =	sld [smem:$0x3FB6];
	_ =	sdelay $0x3  }
0x34: {  	[smem:$0x3FB6] =	sst s10  }
0x35: {  	s10 =	sld [smem:$0x3FB5];
	_ =	sdelay $0x3  }
0x36: {  	p1 =	seq.s32 s10, $0x1;
	s10 =	sld [smem:$0x3FB6];
	_ =	sdelay $0x3  }
0x37: {  	[smem:$0x3FB6] =	sst s10  }
0x38: {  	s10 =	sld [smem:$0x3FB7]  }
0x39: {  	_ = 	snop;
	(pc) =	sbr.ind lr, $3  }
0x3a: {  	_ = 	snop  }
0x3b: {  	_ = 	snop  }
0x3c: {  	p2 =	seq.s32 s10, $0x1;
	s10 =	sld [smem:$0x3FB6]  }
0x3d: {  	_ =	shalt  }
0x3e: {  	_ =	shalt  }
0x3f: {  	_ =	shalt  }
0x40: {  	_ =	shalt  }
0x41: {  	_ =	shalt  }
0x42: {  	_ =	shalt  }
0x43: {  	_ =	shalt  }
0x44: {  	_ =	shalt  }
0x45: {  	_ =	shalt  }
0x46: {  	_ =	shalt  }
0x47: {  	_ =	shalt  }
0x48: {  	_ =	shalt  }
0x49: {  	_ =	shalt  }
0x4a: {  	_ =	shalt  }
0x4b: {  	_ =	shalt  }
0x4c: {  	_ =	shalt  }
0x4d: {  	_ =	shalt  }
0x4e: {  	_ =	shalt  }
0x4f: {  	_ =	shalt  }
0x50: {  	_ =	shalt  }
0x51: {  	_ =	shalt  }
0x52: {  	_ =	shalt  }
0x53: {  	_ =	shalt  }
0x54: {  	_ =	shalt  }
0x55: {  	_ =	shalt  }
0x56: {  	_ =	shalt  }
0x57: {  	_ =	shalt  }
0x58: {  	_ =	shalt  }
0x59: {  	_ =	shalt  }
0x5a: {  	_ =	shalt  }
0x5b: {  	_ =	shalt  }
0x5c: {  	_ =	shalt  }
0x5d: {  	_ =	shalt  }
0x5e: {  	_ =	shalt  }
0x5f: {  	_ =	shalt  }
0x60: {  	_ =	shalt  }
0x61: {  	_ =	shalt  }
0x62: {  	_ =	shalt  }
0x63: {  	_ =	shalt  }
0x64: {  	_ =	shalt  }
0x65: {  	_ =	shalt  }
0x66: {  	_ =	shalt  }
0x67: {  	_ =	shalt  }
0x68: {  	_ =	shalt  }
0x69: {  	_ =	shalt  }
0x6a: {  	_ =	shalt  }
0x6b: {  	_ =	shalt  }
0x6c: {  	_ =	shalt  }
0x6d: {  	_ =	shalt  }
0x6e: {  	_ =	shalt  }
0x6f: {  	_ =	shalt  }
0x70: {  	_ =	shalt  }
0x71: {  	_ =	shalt  }
0x72: {  	_ =	shalt  }
0x73: {  	_ =	shalt  }
0x74: {  	_ =	shalt  }
0x75: {  	_ =	shalt  }
0x76: {  	_ =	shalt  }
0x77: {  	_ =	shalt  }
0x78: {  	_ =	shalt  }
0x79: {  	_ =	shalt  }
0x7a: {  	_ =	shalt  }
0x7b: {  	_ =	shalt  }
0x7c: {  	_ =	shalt  }
0x7d: {  	_ =	shalt  }
0x7e: {  	_ =	shalt  }
0x7f: {  	_ =	shalt  }
0x80: {  	_ =	shalt  }
0x81: {  	_ =	shalt  }
0x82: {  	_ =	shalt  }
0x83: {  	_ =	shalt  }
0x84: {  	_ =	shalt  }
0x85: {  	_ =	shalt  }
0x86: {  	_ =	shalt  }
0x87: {  	_ =	shalt  }
.Lfunc_end0:
.L_simem_size_0:
called_computation.2_lowered:
.L_overlay_start_0:
0x88: {  	s2 =	sld [smem:$0x3FD9]  }
0x89: {  	s3 =	sld [smem:$0x3FFE];
	_ =	sdelay $0x1  }
0x8a: {  	s1 =	srdreg.scid  }
0x8b: {  	s0 =	sand.u32 $0x1, s1  }
0x8c: {  	s17 =	sshll.u32 s0, $0xA;
	s2 =	sadd.s32 s3, s2  }
0x8d: {  	s2 =	sadd.s32 s2, s17  }
0x8e: {  	[smem:$0x3FC2] =	sst s2  }
0x8f: {  	_ = 	snop  }
0x90: {  	s2 =	sld [smem:$0x3FD0];
	(tm) =	ssettm $0x1  }
0x91: {  	s18 =	sld [smem:$0x3FFB];
	_ =	sdelay $0x3  }
0x92: {  	_ =	strace s18  }
0x93: {  	s3 =	sld [smem:$0x3FFC];
	_ =	sdelay $0x3  }
0x94: {  	_ =	strace s3  }
0x95: {  	s3 =	sld [smem:$0x3FFD];
	_ =	sdelay $0x3  }
0x96: {  	_ =	strace s3  }
0x97: {  	_ =	strace $0x8FFFFFFF  }
0x98: {  	s19 =	sld [smem:$0x3FDB];
	_ =	sdelay $0x1  }
0x99: {  	s4 =	simm.s32 $_scs_section_size  }
0x9a: {  	s5 =	simm.s32 $_size__tile_overlayer_lowered;
	s6 =	simm.s32 $_tile_overlayer_lowered  }
0x9b: {  	s22 =	simm.s32 $0x1BFF;
	s21 =	sshll.u32 s6, $0x1;
	s3 =	sadd.s32 s4, s19  }
0x9c: {  	s7 =	simm.s32 $0x0;
	s20 =	sshll.u32 s5, $0x1;
	s5 =	sadd.s32 s21, s3  }
0x9d: {  	[timem:s7], [sflag:s22] =	dma.local [hbm:s5], s20  }
0x9e: {  	_ =	swait.ge [sflag:s22], s20  }
0x9f: {  	s4 =	ssub.s32 $0x0, s20;
	[sflag:s22] =	ssyncset.done $0x0  }
0xa0: {  	[sflag:s22] =	ssyncadd.s32 s4;
	_ =	sdelay $0x1  }
0xa1: {  	s23 =	simm.s32 $0x1B8B  }
0xa2: {  	_ =	swait.ge [sflag:s23], $0x1  }
0xa3: {  	[sflag:s23] =	ssyncset.done $0x0  }
0xa4: {  	s25 =	simm.s32 $0x1B8E;
	s24 =	sld [smem:$0x3FFE];
	[sflag:s23] =	ssyncadd.s32 $0xFFFFFFFF  }
0xa5: {  	s26 =	simm.s32 $execute0_lowered;
	[smem:$0x3FD2] =	sst s25  }
0xa6: {  	s5 =	sshll.u32 s26, $0x1;
	_ =	strace $0x8000004C;
	[dreg:$0x1] =	wrdreg $0xFFFFFFFF  }
0xa7: {  	s28 =	simm.s32 $_size_execute0_lowered;
	s3 =	sadd.s32 s3, s5;
	[dreg:$0x0] =	wrdreg $0x0  }
0xa8: {  	s5 =	sshll.u32 s28, $0x1;
	[dreg:$0x2] =	wrdreg s3  }
0xa9: {  	[dreg:$0x3] =	wrdreg s5  }
0xaa: {  	[dreg:$0x4] =	wrdreg $0xC0  }
0xab: {  	_ =	task [dreg:s7], $0x5FFFF  }
0xac: {  	[dreg:$0x1] =	wrdreg $0xFFFFFFFF  }
0xad: {  	[dreg:$0x0] =	wrdreg $0x60  }
0xae: {  	[dreg:$0x2] =	wrdreg s2  }
0xaf: {  	[dreg:$0x3] =	wrdreg s24  }
0xb0: {  	[dreg:$0x4] =	wrdreg $0xC0000  }
0xb1: {  	[dreg:$0x5] =	wrdreg $0x9  }
0xb2: {  	_ =	task.clear_ibuf [dreg:s7], $0x6FFFF;
	_ =	strace $0x9000004C  }
0xb3: {  	s29 =	simm.s32 $0x9;
	_ =	strace $0x8000004E  }
0xb4: {  	_ =	swait.ge [sflag:s29], $0x1  }
0xb5: {  	[sflag:s29] =	ssyncadd.s32 $0xFFFFFFFF  }
0xb6: {  	_ =	strace $0x9000004E  }
0xb7: {  	_ =	sfence  }
0xb8: {  	s30 =	sld [smem:$0x0];
	_ =	sdelay $0x2  }
0xb9: {  	s31 =	sshll.u32 s1, $0xD;
	s1 =	sshrl.u32 s1, $0x2  }
0xba: {  	s3 =	sand.u32 $0x4000, s31;
	s1 =	sadd.s32 s1, s30  }
0xbb: {  	s0 =	sor.u32 s3, s0;
	s1 =	sshll.u32 s1, $0x11  }
0xbc: {  	s0 =	sor.u32 s1, s0  }
0xbd: {  	s0 =	sadd.s32 $0x8F2B, s0  }
0xbe: {  	[sflag:s0] =	ssyncadd.remote.s32 $0x1  }
0xbf: {  	_ =	sfence.sel $0xFFFF  }
0xc0: {  	[dreg:$0x0] =	wrdreg $0xFFFFFFFF;
	(pc) =	sbr.abs _section_cstart, $3  }
0xc1: {  	[dreg:$0x1] =	wrdreg $0xFFFFFFFF  }
0xc2: {  	_ =	task.clear_ibuf [dreg:s7], $0x2FFFF;
	_ =	strace $0x9FFFFFFF  }
0xc3: {  	(tm) =	ssettm $0x7FFFFFFF  }
tec
execute0_lowered:
.L_overlay_start_1:
0x0: {  	(tag) =	ssettag $0x1  }
0x1: {  	s8 =	rddreg [dreg:$0x0]  }
0x2: {  	s5 =	rddreg [dreg:$0x1]  }
0x3: {  	s2 =	rddreg [dreg:$0x2];
	s3 =	simm.s32 $0x0;
	s4 =	srdreg.scid  }
0x4: {  	s0 =	stileid.u32;
	s18 =	simm.s32 $0x3;
	s19 =	simm.s32 $0x2000  }
0x5: {  	s20 =	simm.s32 $0x80;
	s21 =	simm.s32 $0x8000;
	s22 =	simm.s32 $0x1  }
0x6: {  	s23 =	simm.s32 $0x2;
	s26 =	simm.s32 $0x0;
	[smem:$0x7FF] =	sst s3  }
0x7: {  	s16 =	sand.u32 $0x1, s4;
	s28 =	sshll.u32 s0, $0x8;
	s7 =	smul.u32 $0x50000, s0  }
0x8: {  	s6 =	sshll.u32 s0, $0xA;
	s4 =	sadd.s32 $0x8000, s5;
	s24 =	smul.u32 $0x2800, s0  }
0x9: {  	s17 =	sshll.u32 s0, $0x6;
	p0 =	seq.s32 s16, $0x0;
	s9 =	sor.u32 $0x4000, s28  }
0xa: {  	s29 =	smul.u32 $0x28000, s16;
	_ =	strace $0x8000004D;
	s30 =	ssub.s32 $0x2, s16  }
0xb: {  	s9 =	smov.u32 @p0 s6;
	s12 =	sshrl.u32 s30, $0x1;
	s31 =	sshrl.u32 s7, $0x2  }
0xc: {  	s7 =	sadd.s32 s4, s24;
	s10 =	sadd.s32 s9, s5;
	s11 =	sadd.s32 s29, s5  }
0xd: {  	s5 =	simm.s32 $0x40;
	s12 =	ssub.s32 s30, s12;
	s6 =	sadd.s32 s31, s2  }
0xe: {  	s8 =	sadd.s32 s8, s9;
	s5 =	simm.s32 @!p0 $0x10;
	s9 =	sadd.s32 $0x2C00, s10  }
0xf: {  	s25 =	sadd.s32 $0x30000, s11;
	s10 =	smax.u32 s12, $0x1;
	s11 =	sadd.s32 $0x4000, s6  }
0x10: {  	s12 =	sadd.s32 $0x8000, s6;
	s13 =	sadd.s32 $0xC000, s6;
	s14 =	sadd.s32 $0x10000, s6  }
0x11: {  	p0 =	sne.s32 s16, $0x0;
	s16 =	sor.u32 $0x1C03, s17;
	s17 =	sshrl.u32 s6, $0x3  }
0x12: {  	v0 =	vimm.f32 $0.0e+00;
	s15 =	sadd.s32 $0xFFFFFFFF, s5;
	s24 =	sadd.s32 s24, s25;
	s25 =	simm.s32 $0x4000  }
.LBB2_1:
.Ltmp0:
0x13: {  	(pc) =	sbr.rel @p0 .LBB2_3-.Ltmp0, $1  }
0x14: {  	_ =	sdelay $0x3  }
.Ltmp1:
0x15: {  	(pc) =	sbr.rel .LBB2_6-.Ltmp1, $4  }
0x16: {  	[spmem:s17], [sflag:s16] =	dma.local [hbm:s7], $0x2800  }
0x17: {  	_ =	swait.ge [sflag:s18], $0x2800  }
0x18: {  	[sflag:s18] =	ssyncset.done $0x0  }
0x19: {  	[sflag:s18] =	ssyncadd.s32 $0xFFFFD800  }
.LBB2_3:
0x1a: {  	s28 =	sand.u32 $0xFE00, s3  }
0x1b: {  	s29 =	sand.u32 $0x70, s3;
	s30 =	sshrl.u32 s28, $0x2  }
0x1c: {  	s28 =	simm.s32 $0x40;
	s30 =	sor.u32 s29, s30;
	s29 =	simm.s32 $0x0  }
.LBB2_4:
0x1d: {  	p1 =	seq.s32 s28, $0xFFC0  }
0x1e: {  	[tilespmem:s30+$0x4000] =	vst v0;
	s29 =	sadd.s32 $0x10, s29;
	s30 =	smov.u32 s28;
	s28 =	sadd.s32 $0x40, s28  }
.Ltmp2:
0x1f: {  	(pc) =	sbr.rel @!p1 .LBB2_4-.Ltmp2, $4  }
0x20: {  	_ = 	snop  }
0x21: {  	s30 =	sand.u32 $0xFE00, s30  }
0x22: {  	s31 =	sand.u32 $0x70, s29;
	s30 =	sshrl.u32 s30, $0x2  }
0x23: {  	s30 =	sor.u32 s31, s30  }
0x24: {  	[tilespmem:s30+$0x4000] =	vst v0  }
0x25: {  	[spmem:s6] =	stream.linear.scatter [tilespmem:s25], [sflag:$0x3], $0x4000, $0x38;
	v63 =	vld [tilespmem:$0x0]  }
0x26: {  	_ =	swait.ge [sflag:s18], $0x4000  }
0x27: {  	[sflag:s18] =	ssyncset.done $0x0  }
0x28: {  	[sflag:s18] =	ssyncadd.s32 $0xFFFFC000  }
0x29: {  	[spmem:s11] =	stream.linear.scatter [tilespmem:s25], [sflag:$0x3], $0x4000, $0x38;
	v63 =	vld [tilespmem:$0x0]  }
0x2a: {  	_ =	swait.ge [sflag:s18], $0x4000  }
0x2b: {  	[sflag:s18] =	ssyncset.done $0x0  }
0x2c: {  	[sflag:s18] =	ssyncadd.s32 $0xFFFFC000  }
0x2d: {  	[spmem:s12] =	stream.linear.scatter [tilespmem:s25], [sflag:$0x3], $0x4000, $0x38;
	v63 =	vld [tilespmem:$0x0]  }
0x2e: {  	_ =	swait.ge [sflag:s18], $0x4000  }
0x2f: {  	[sflag:s18] =	ssyncset.done $0x0  }
0x30: {  	[sflag:s18] =	ssyncadd.s32 $0xFFFFC000  }
0x31: {  	[spmem:s13] =	stream.linear.scatter [tilespmem:s25], [sflag:$0x3], $0x4000, $0x38;
	v63 =	vld [tilespmem:$0x0]  }
0x32: {  	_ =	swait.ge [sflag:s18], $0x4000  }
0x33: {  	[sflag:s18] =	ssyncset.done $0x0  }
0x34: {  	[sflag:s18] =	ssyncadd.s32 $0xFFFFC000  }
0x35: {  	[spmem:s14] =	stream.linear.scatter [tilespmem:s25], [sflag:$0x3], $0x4000, $0x38;
	v63 =	vld [tilespmem:$0x0]  }
0x36: {  	_ =	swait.ge [sflag:s18], $0x4000  }
0x37: {  	[sflag:s18] =	ssyncset.done $0x0  }
0x38: {  	[sflag:s18] =	ssyncadd.s32 $0xFFFFC000  }
.LBB2_6:
0x39: {  	s28 =	simm.s32 $0x0  }
0x3a: {  	[tilespmem:s28], [sflag:$0x3] =	stream.linear.gather [hbm4b:s8+s28], $0x2000, $0x38;
	v63 =	vld [tilespmem:$0x0]  }
0x3b: {  	_ =	swait.ge [sflag:s18], $0x2000  }
0x3c: {  	[sflag:s18] =	ssyncset.done $0x0  }
0x3d: {  	[sflag:s18] =	ssyncadd.s32 $0xFFFFE000  }
0x3e: {  	[tilespmem:s19], [sflag:$0x3] =	stream.linear.gather [hbm4b:s9+s28], $0x2000, $0x38;
	v63 =	vld [tilespmem:$0x0]  }
0x3f: {  	_ =	swait.ge [sflag:s18], $0x2000  }
0x40: {  	[sflag:s18] =	ssyncset.done $0x0  }
0x41: {  	[sflag:s18] =	ssyncadd.s32 $0xFFFFE000  }
0x42: {  	s29 =	simm.s32 $0x4000;
	[bflag:$0x0] =	sbarrier.arrive $0xFFFF  }
0x43: {  	[tilespmem:s29], [sflag:$0x1] =	stream.indirect.gather [hbm4b:s4+s20], $0x80, s28, s20, $0xb8;
	v63 =	vld [tilespmem:$0x0]  }
0x44: {  	_ = 	snop  }
0x45: {  	[tilespmem:s21], [sflag:$0x1] =	stream.indirect.gather [hbm4b:s4+s20], $0x80, s20, s20, $0xb8;
	v63 =	vld [tilespmem:$0x0]  }
0x46: {  	_ =	swait.ge [sflag:s22], $0x4000  }
0x47: {  	[sflag:s22] =	ssyncset.done $0x0  }
0x48: {  	[sflag:s22] =	ssyncadd.s32 $0xFFFFC000  }
0x49: {  	[spmem:s2] =	stream.indirect.scatter.add.f32 [tilespmem:s29], [sflag:$0x2], $0x80, s19, s20, $0xb8;
	v63 =	vld [tilespmem:$0x0]  }
0x4a: {  	_ =	swait.ge [sflag:s22], $0x4000  }
0x4b: {  	p1 =	sle.u32 s5, $0x2;
	s30 =	sand.u32 $0x4000, s29;
	[sflag:s22] =	ssyncset.done $0x0  }
0x4c: {  	s30 =	sadd.s32 $0x4000, s30;
	s28 =	simm.s32 $0x2080;
	[sflag:s22] =	ssyncadd.s32 $0xFFFFC000  }
0x4d: {  	[spmem:s2] =	stream.indirect.scatter.add.f32 [tilespmem:s30], [sflag:$0x2], $0x80, s28, s20, $0xb8;
	v63 =	vld [tilespmem:$0x0]  }
0x4e: {  	s29 =	sxor.u32 @!p1 $0xFFFFFFFF, s29;
	_ =	swait.ge [sflag:s23], $0x4000  }
0x4f: {  	s31 =	simm.s32 @!p1 $0x80;
	s29 =	sand.u32 @!p1 $0x4000, s29;
	[sflag:s23] =	ssyncset.done $0x0  }
0x50: {  	s29 =	sadd.s32 @!p1 $0x4000, s29;
	s30 =	simm.s32 $0x100;
	[sflag:s23] =	ssyncadd.s32 $0xFFFFC000  }
0x51: {  	[tilespmem:s29], [sflag:$0x1] =	stream.indirect.gather @!p1 [hbm4b:s4+s31], $0x80, s30, s31, $0xb8;
	v63 =	vld [tilespmem:$0x0]  }
0x52: {  	p1 =	sne.s32 s15, $0x1  }
.Ltmp3:
0x53: {  	_ = 	snop;
	(pc) =	sbr.rel @!p1 .LBB2_8-.Ltmp3, $2  }
0x54: {  	_ =	sdelay $0x2  }
0x55: {  	s29 =	simm.s32 $0x1;
	s30 =	simm.s32 $0x8000;
	s31 =	simm.s32 $0x180  }
.LBB2_7:
0x56: {  	_ =	swait.ge [sflag:s22], $0x4000  }
0x57: {  	s28 =	sadd.s32 $0x80, s28;
	s0 =	smov.u32 s29;
	s29 =	sadd.s32 $0x1, s29  }
0x58: {  	s1 =	sand.u32 $0x4000, s30;
	[sflag:s22] =	ssyncset.done $0x0;
	p1 =	sne.s32 s15, s29  }
0x59: {  	s1 =	sadd.s32 $0x4000, s1;
	s0 =	sadd.s32 $0x2, s0;
	[sflag:s22] =	ssyncadd.s32 $0xFFFFC000  }
0x5a: {  	[spmem:s2] =	stream.indirect.scatter.add.f32 [tilespmem:s1], [sflag:$0x2], $0x80, s28, s20, $0xb8;
	v63 =	vld [tilespmem:$0x0]  }
0x5b: {  	p2 =	sge.u32 s0, s5;
	_ =	swait.ge [sflag:s23], $0x4000  }
.Ltmp4:
0x5c: {  	s0 =	sxor.u32 @!p2 $0xFFFFFFFF, s30;
	[sflag:s23] =	ssyncset.done $0x0;
	(pc) =	sbr.rel @p1 .LBB2_7-.Ltmp4, $4  }
0x5d: {  	s0 =	sand.u32 @!p2 $0x4000, s0;
	[sflag:s23] =	ssyncadd.s32 $0xFFFFC000  }
0x5e: {  	s1 =	simm.s32 @!p2 $0x80;
	s0 =	sadd.s32 @!p2 $0x4000, s0  }
0x5f: {  	[tilespmem:s0], [sflag:$0x1] =	stream.indirect.gather @!p2 [hbm4b:s4+s1], $0x80, s31, s1, $0xb8;
	v63 =	vld [tilespmem:$0x0]  }
0x60: {  	s30 =	sadd.s32 $0x4000, s30;
	s31 =	sadd.s32 $0x80, s31  }
.LBB2_8:
0x61: {  	_ =	swait.ge [sflag:s23], $0x4000  }
0x62: {  	s26 =	sadd.s32 $0x1, s26;
	[sflag:s23] =	ssyncset.done $0x0  }
0x63: {  	p1 =	sne.s32 s26, s10;
	[sflag:s23] =	ssyncadd.s32 $0xFFFFC000  }
.Ltmp5:
0x64: {  	[bflag:$0x0] =	sbarrier.arrive $0xFFFF;
	(pc) =	sbr.rel @p1 .LBB2_1-.Ltmp5, $4  }
0x65: {  	[hbm:s24], [sflag:s16] =	dma.local [spmem:s17], $0x2800  }
0x66: {  	_ =	swait.ge [sflag:s18], $0x2800  }
0x67: {  	[sflag:s18] =	ssyncset.done $0x0  }
0x68: {  	[sflag:s18] =	ssyncadd.s32 $0xFFFFD800  }
0x69: {  	_ =	sfence.sel $0x180000  }
0x6a: {  	[bflag:$0x0] =	sbarrier.arrive $0xFFFF  }
0x6b: {  	_ =	strace $0x9000004D  }
0x6c: {  	s0 =	stileid.u32;
	[bflag:$0x2] =	sbarrier.arrive $0xFFFF  }
0x6d: {  	p0 =	sne.s32 s0, $0x0;
	s0 =	rddreg [dreg:$0x3]  }
0x6e: {  	s0 =	sadd.s32 @!p0 $0x100000, s0  }
0x6f: {  	[sflag:s0] =	ssyncadd.tile.s32 @!p0 $0x1;
	_ =	shalt  }
.Lfunc_end2:
_tile_overlayer_lowered:
.L_overlay_start_2:
0x70: {  	(tag) =	ssettag $0x2  }
0x71: {  	s0 =	rddreg [dreg:$0x0];
	s2 =	stileid.u32  }
0x72: {  	s1 =	rddreg [dreg:$0x1];
	p0 =	sne.s32 s2, $0x0  }
0x73: {  	s3 =	rddreg [dreg:$0x2];
	[bflag:$0x3] =	sbarrier.arrive $0xFFFF;
	s2 =	simm.s32 @!p0 $0x1C03  }
0x74: {  	[timem:s3], [sflag:s2] =	dma.local @!p0 [hbm:s0], s1  }
0x75: {  	s0 =	simm.s32 @!p0 $0x3  }
0x76: {  	_ =	swait.ge @!p0 [sflag:s0], s1  }
0x77: {  	s1 =	ssub.s32 @!p0 $0x0, s1;
	[sflag:s0] =	ssyncset.done @!p0 $0x0  }
0x78: {  	[sflag:s0] =	ssyncadd.s32 @!p0 s1  }
0x79: {  	[bflag:$0x3] =	sbarrier.arrive $0xFFFF  }
0x7a: {  	_ =	shalt  }

</sc_bundles>
